<compile_context>
chip_gen: v7x
topology: tpu7x:2x2x1
jax: 0.10.2.dev20260603
libtpu: 0.0.44.dev20260713+nightly
codegen_flags: <defaults>
</compile_context>

<pallas_src>
import functools

import jax
import jax.numpy as jnp
from jax import lax
from jax.experimental import pallas as pl
from jax.experimental.pallas import tpu as pltpu
from jax.experimental.pallas import tpu_sc as plsc


def _sc_gather_body(rows_per, lut_hbm, ids_hbm, out_hbm, idx_v, val_v,
                    sem, sem_out):
    nc = plsc.get_sparse_core_info().num_cores
    wid = (lax.axis_index("s") * jnp.int32(nc)
           + lax.axis_index("c")).astype(jnp.int32)
    base = wid * jnp.int32(rows_per)
    pltpu.sync_copy(ids_hbm.at[pl.ds(base, rows_per)], idx_v)
    copies = [
        pltpu.async_copy(
            lut_hbm.at[idx_v.at[jnp.int32(j)]],
            val_v.at[jnp.int32(j)], sem)
        for j in range(rows_per)
    ]
    out_copies = []
    for j, c in enumerate(copies):
        c.wait()
        out_copies.append(
            pltpu.async_copy(val_v.at[jnp.int32(j)],
                             out_hbm.at[base + jnp.int32(j)], sem_out))
    for c in out_copies:
        c.wait()


def _sc_gather(lut32, ids_2d):
    rows, width = ids_2d.shape
    info = plsc.get_sparse_core_info()
    rows_per = rows // (info.num_cores * info.num_subcores)
    mesh = plsc.VectorSubcoreMesh(core_axis_name="c", subcore_axis_name="s")

    return pl.kernel(
        functools.partial(_sc_gather_body, rows_per),
        out_type=jax.ShapeDtypeStruct((rows, width), jnp.int32),
        mesh=mesh,
        scratch_types=[
            pltpu.VMEM((rows_per, width), jnp.int32),
            pltpu.VMEM((rows_per, width), jnp.int32),
            pltpu.SemaphoreType.DMA,
            pltpu.SemaphoreType.DMA,
        ],
    )(lut32, ids_2d)


def _hash_body(max_ngram, n_head, b, t, aux_ref, s_ref, out_ref):
    mask16 = jnp.uint32(0xFFFF)
    view = s_ref[...].reshape(b, t)
    pad = aux_ref[3 * max_ngram + n_head * (max_ngram - 1)]

    prods = []
    for k in range(max_ngram):
        if k == 0:
            s = view.astype(jnp.uint32)
        else:
            s = jnp.concatenate(
                [jnp.full((b, k), pad, jnp.int32), view[:, :t - k]],
                axis=1).astype(jnp.uint32)
        s0 = s & mask16
        s1_nz = (s >> 16) > 0
        mk0 = aux_ref[3 * k].astype(jnp.uint32)
        mk1 = aux_ref[3 * k + 1].astype(jnp.uint32)
        mk2 = aux_ref[3 * k + 2].astype(jnp.uint32)
        a0 = s0 * mk0
        a1 = s0 * mk1
        a2 = s0 * mk2
        b0 = jnp.where(s1_nz, mk0, jnp.uint32(0))
        b1 = jnp.where(s1_nz, mk1, jnp.uint32(0))
        b2 = jnp.where(s1_nz, mk2, jnp.uint32(0))
        c0 = a0 & mask16
        t1 = (a0 >> 16) + (a1 & mask16) + b0
        t2 = (t1 >> 16) + (a1 >> 16) + (a2 & mask16) + b1
        t3 = (t2 >> 16) + (a2 >> 16) + b2
        lo = c0 | ((t1 & mask16) << 16)
        hi = (t2 & mask16) | ((t3 & mask16) << 16)
        prods.append((hi, lo))

    mix_hi, mix_lo = prods[0]
    idx = 0
    for n in range(2, max_ngram + 1):
        mix_hi = mix_hi ^ prods[n - 1][0]
        mix_lo = mix_lo ^ prods[n - 1][1]
        hi_s = mix_hi.astype(jnp.int32)
        l1 = (mix_lo >> 16).astype(jnp.int32)
        l0 = (mix_lo & mask16).astype(jnp.int32)
        for _ in range(n_head):
            p = aux_ref[3 * max_ngram + idx]
            inv = jnp.float32(1.0) / p.astype(jnp.float32)

            def fmod31(y):
                q = (y.astype(jnp.float32) * inv).astype(jnp.int32)
                r = y - q * p
                r = jnp.where(r < 0, r + p, r)
                return jnp.where(r >= p, r - p, r)

            acc = fmod31(hi_s)
            acc = fmod31(acc << 14)
            acc = fmod31(((acc << 2) + l1) << 12)
            acc = fmod31((acc << 4) + l0)
            out_ref[idx] = acc
            idx += 1


def _tc_hash(max_ngram, n_head, b, t, aux32, s_2d, interpret=False):
    n_out = (max_ngram - 1) * n_head
    return pl.pallas_call(
        functools.partial(_hash_body, max_ngram, n_head, b, t),
        out_shape=jax.ShapeDtypeStruct((n_out, b, t), jnp.int32),
        in_specs=[
            pl.BlockSpec(memory_space=pltpu.SMEM),
            pl.BlockSpec(memory_space=pltpu.VMEM),
        ],
        out_specs=pl.BlockSpec(memory_space=pltpu.VMEM),
        interpret=interpret,
    )(aux32, s_2d)


def _build_aux(multipliers, prime_mods, pad_id, max_ngram):
    shifts = 16 * jnp.arange(3, dtype=multipliers.dtype)
    limbs = ((multipliers[:, None] >> shifts[None, :]) & 0xFFFF).reshape(-1)
    pad64 = jnp.asarray(pad_id).astype(jnp.int64)
    return jnp.concatenate([limbs, prime_mods, pad64[None]]).astype(jnp.int32)


def kernel(input_ids, lookup_table, multipliers, prime_mods, pad_id):
    b, t = input_ids.shape
    max_ngram = multipliers.shape[0]
    n_head = prime_mods.shape[0] // (max_ngram - 1)

    vmax = lookup_table.shape[0] - 1
    ids32 = jnp.clip(input_ids, 0, vmax).astype(jnp.int32)
    lut32 = lookup_table.astype(jnp.int32)
    aux32 = _build_aux(multipliers, prime_mods, pad_id, max_ngram)

    s_2d = _sc_gather(lut32, ids32.reshape(-1, 128))
    out = _tc_hash(max_ngram, n_head, b, t, aux32, s_2d)
    return jnp.transpose(out, (1, 2, 0)).astype(jnp.int64)

# --- scband reference (transcript-rebuilt; emitter-appended) ---
"""Pipeline reference for scband-hybrid-ngram-hash-mapping-82257213653289 (READ-ONLY COPY).

The authoritative reference and input builder live on the scoring server;
editing this copy changes nothing except your own understanding.
"""

import jax, jax.numpy as jnp
import numpy as np
jax.config.update('jax_enable_x64', True)

VOCAB = 100000
COMPRESSED_VOCAB = 77000
MAX_NGRAM = 4
N_HEAD = 2
ENGRAM_VOCAB = [100000, 100000, 100000]
SEED = 42
LAYER_ID = 0
PRIME_1 = 10007
B, T = 4, 4096


def _isprime(n):
    if n < 2:
        return False
    if n % 2 == 0:
        return n == 2
    i = 3
    while i * i <= n:
        if n % i == 0:
            return False
        i += 2
    return True


def _find_next_prime(start, seen):
    c = start + 1
    while True:
        if _isprime(c) and c not in seen:
            return c
        c += 1


def setup_inputs(seed: int = 0) -> dict:
    key = jax.random.key(seed)
    k1, k2 = jax.random.split(key)
    input_ids = jax.random.randint(k1, (B, T), 0, VOCAB, dtype=jnp.int64)
    # CompressedTokenizer lookup table: maps raw vocab -> compressed vocab (~77%)
    rng_lut = np.random.default_rng(123)
    lookup_np = rng_lut.integers(0, COMPRESSED_VOCAB, size=(VOCAB,), dtype=np.int64)
    lookup_table = jnp.asarray(lookup_np)
    # layer multipliers (odd random int64), as in __init__
    max_long = np.iinfo(np.int64).max
    M_max = int(max_long // COMPRESSED_VOCAB)
    half_bound = max(1, M_max // 2)
    g = np.random.default_rng(int(SEED + PRIME_1 * LAYER_ID))
    r = g.integers(low=0, high=half_bound, size=(MAX_NGRAM,), dtype=np.int64)
    multipliers = jnp.asarray(r * 2 + 1)
    # prime moduli per (ngram, head)
    seen = set()
    primes = []
    for ngram in range(2, MAX_NGRAM + 1):
        start = ENGRAM_VOCAB[ngram - 2] - 1
        for _ in range(N_HEAD):
            p = _find_next_prime(start, seen)
            seen.add(p)
            primes.append(p)
            start = p
    prime_mods = jnp.asarray(np.array(primes, dtype=np.int64))
    pad_id = int(lookup_np[0])  # compressed pad id (pad_id=0 remapped through lookup)
    return {
        'input_ids': input_ids,
        'lookup_table': lookup_table,
        'multipliers': multipliers,
        'prime_mods': prime_mods,
        'pad_id': pad_id,
    }


def reference(input_ids, lookup_table, multipliers, prime_mods, pad_id):
    # 1) tokenizer compression (gather)
    V = lookup_table.shape[0]
    ids = jnp.take(lookup_table, jnp.clip(input_ids, 0, V - 1), axis=0)
    b, t = ids.shape
    # 2) build shifted copies padded with pad_id
    shifts = [ids]
    for k in range(1, MAX_NGRAM):
        padding = jnp.full((b, k), pad_id, dtype=jnp.int64)
        shifts.append(jnp.concatenate([padding, ids[:, :-k]], axis=1))
    # 3) multiplicative mix + xor per ngram order, then mod per head prime
    all_hashes = []
    hash_idx = 0
    for n in range(2, MAX_NGRAM + 1):
        mix = shifts[0] * multipliers[0]
        for k in range(1, n):
            mix = jnp.bitwise_xor(mix, shifts[k] * multipliers[k])
        for _ in range(N_HEAD):
            all_hashes.append(mix % prime_mods[hash_idx])
            hash_idx += 1
    return jnp.stack(all_hashes, axis=2)  # [B, T, (MAX_NGRAM-1)*N_HEAD]

if __name__ == "__main__":
    import jax
    _d = setup_inputs()
    print(jax.jit(kernel)(*tuple(_d.values())))

</pallas_src>

<mosaic_0001>
#map = affine_map<(d0, d1) -> (0)>
#map1 = affine_map<(d0, d1) -> (0, 0)>
module attributes {stable_mosaic.version = 14 : i64} {
  func.func @_sc_gather_body(%arg0: i32, %arg1: i32, %arg2: memref<100000xi32, #tpu.memory_space<hbm>>, %arg3: memref<128x128xi32, #tpu.memory_space<hbm>>, %arg4: memref<128x128xi32, #tpu.memory_space<hbm>>, %arg5: memref<4x128xi32, #tpu.memory_space<vmem>>, %arg6: memref<4x128xi32, #tpu.memory_space<vmem>>, %arg7: memref<!tpu.dma_semaphore, #tpu.memory_space<semaphore_mem>>, %arg8: memref<!tpu.dma_semaphore, #tpu.memory_space<semaphore_mem>>) attributes {dimension_semantics = [#tpu.dimension_semantics<core_parallel>, #tpu.dimension_semantics<subcore_parallel>], iteration_bounds = array<i64: 2, 16>, scalar_prefetch = 0 : i64, scratch_operands = 4 : i64, tpu.core_type = #tpu.core_type<sc_vector_subcore>, window_params = [{transform_indices = #map}, {transform_indices = #map1}, {transform_indices = #map1}]} {
    %mul3A = arith.constant 2 : i32
    %mul3A_0 = arith.muli %arg1, %mul3A : i32
    %add3A = arith.addi %mul3A_0, %arg0 : i32
    %mul3A_1 = arith.constant 4 : i32
    %mul3A_2 = arith.muli %add3A, %mul3A_1 : i32
    "tpu.region"() ({
      %run_scoped3A = tpu.sem_alloc : memref<!tpu.dma_semaphore, #tpu.memory_space<semaphore_mem>>
      %dma_start3A_193 = arith.constant 0 : i32
      %dma_start3A_194 = tpu.memref_slice %arg3[%mul3A_2, %dma_start3A_193] : memref<128x128xi32, #tpu.memory_space<hbm>> -> memref<4x128xi32, #tpu.memory_space<hbm>>
      %dma_start3A_195 = arith.constant 0 : i32
      %dma_start3A_196 = tpu.memref_slice %arg3[%mul3A_2, %dma_start3A_195] : memref<128x128xi32, #tpu.memory_space<hbm>> -> memref<4x128xi32, #tpu.memory_space<hbm>>
      tpu.enqueue_dma source(%dma_start3A_196 : memref<4x128xi32, #tpu.memory_space<hbm>>) target(%arg5 : memref<4x128xi32, #tpu.memory_space<vmem>>) target_semaphore(%run_scoped3A : memref<!tpu.dma_semaphore, #tpu.memory_space<semaphore_mem>>)
      %dma_wait3A_197 = arith.constant 0 : i32
      %dma_wait3A_198 = tpu.memref_slice %arg3[%mul3A_2, %dma_wait3A_197] : memref<128x128xi32, #tpu.memory_space<hbm>> -> memref<4x128xi32, #tpu.memory_space<hbm>>
      %dma_wait3A_199 = arith.constant 0 : i32
      %dma_wait3A_200 = tpu.memref_slice %arg3[%mul3A_2, %dma_wait3A_199] : memref<128x128xi32, #tpu.memory_space<hbm>> -> memref<4x128xi32, #tpu.memory_space<hbm>>
      tpu.wait_dma2 semaphore(%run_scoped3A : memref<!tpu.dma_semaphore, #tpu.memory_space<semaphore_mem>>) src(%dma_wait3A_200 : memref<4x128xi32, #tpu.memory_space<hbm>>) dst(%arg5 : memref<4x128xi32, #tpu.memory_space<vmem>>)
      tpu.yield
    }) : () -> ()
    %dma_start3A = arith.constant 0 : i32
    %dma_start3A_3 = arith.constant 0 : i32
    %dma_start3A_4 = arith.constant 0 : i32
    %dma_start3A_5 = tpu.memref_slice %arg6[%dma_start3A_3, %dma_start3A_4] : memref<4x128xi32, #tpu.memory_space<vmem>> -> memref<1x128xi32, #tpu.memory_space<vmem>>
    %dma_start3A_6 = tpu.memref_squeeze %dma_start3A_5 : memref<1x128xi32, #tpu.memory_space<vmem>> -> memref<128xi32, #tpu.memory_space<vmem>>
    %dma_start3A_7 = arith.constant 0 : i32
    %dma_start3A_8 = tpu.memref_slice %arg5[%dma_start3A, %dma_start3A_7] : memref<4x128xi32, #tpu.memory_space<vmem>> -> memref<1x128xi32, #tpu.memory_space<vmem>>
    %dma_start3A_9 = tpu.memref_squeeze %dma_start3A_8 : memref<1x128xi32, #tpu.memory_space<vmem>> -> memref<128xi32, #tpu.memory_space<vmem>>
    %dma_start3A_10 = arith.constant 0 : i32
    %dma_start3A_11 = tpu.memref_slice %arg2[%dma_start3A_10] : memref<100000xi32, #tpu.memory_space<hbm>> -> memref<100000xi32, #tpu.memory_space<hbm>>
    tpu.enqueue_indirect_dma source(%dma_start3A_11 : memref<100000xi32, #tpu.memory_space<hbm>>) target(%dma_start3A_6 : memref<128xi32, #tpu.memory_space<vmem>>) offsets(%dma_start3A_9 : memref<128xi32, #tpu.memory_space<vmem>>) semaphore(%arg7 : memref<!tpu.dma_semaphore, #tpu.memory_space<semaphore_mem>>)
    %dma_start3A_12 = arith.constant 1 : i32
    %dma_start3A_13 = arith.constant 1 : i32
    %dma_start3A_14 = arith.constant 0 : i32
    %dma_start3A_15 = tpu.memref_slice %arg6[%dma_start3A_13, %dma_start3A_14] : memref<4x128xi32, #tpu.memory_space<vmem>> -> memref<1x128xi32, #tpu.memory_space<vmem>>
    %dma_start3A_16 = tpu.memref_squeeze %dma_start3A_15 : memref<1x128xi32, #tpu.memory_space<vmem>> -> memref<128xi32, #tpu.memory_space<vmem>>
    %dma_start3A_17 = arith.constant 0 : i32
    %dma_start3A_18 = tpu.memref_slice %arg5[%dma_start3A_12, %dma_start3A_17] : memref<4x128xi32, #tpu.memory_space<vmem>> -> memref<1x128xi32, #tpu.memory_space<vmem>>
    %dma_start3A_19 = tpu.memref_squeeze %dma_start3A_18 : memref<1x128xi32, #tpu.memory_space<vmem>> -> memref<128xi32, #tpu.memory_space<vmem>>
    %dma_start3A_20 = arith.constant 0 : i32
    %dma_start3A_21 = tpu.memref_slice %arg2[%dma_start3A_20] : memref<100000xi32, #tpu.memory_space<hbm>> -> memref<100000xi32, #tpu.memory_space<hbm>>
    tpu.enqueue_indirect_dma source(%dma_start3A_21 : memref<100000xi32, #tpu.memory_space<hbm>>) target(%dma_start3A_16 : memref<128xi32, #tpu.memory_space<vmem>>) offsets(%dma_start3A_19 : memref<128xi32, #tpu.memory_space<vmem>>) semaphore(%arg7 : memref<!tpu.dma_semaphore, #tpu.memory_space<semaphore_mem>>)
    %dma_start3A_22 = arith.constant 2 : i32
    %dma_start3A_23 = arith.constant 2 : i32
    %dma_start3A_24 = arith.constant 0 : i32
    %dma_start3A_25 = tpu.memref_slice %arg6[%dma_start3A_23, %dma_start3A_24] : memref<4x128xi32, #tpu.memory_space<vmem>> -> memref<1x128xi32, #tpu.memory_space<vmem>>
    %dma_start3A_26 = tpu.memref_squeeze %dma_start3A_25 : memref<1x128xi32, #tpu.memory_space<vmem>> -> memref<128xi32, #tpu.memory_space<vmem>>
    %dma_start3A_27 = arith.constant 0 : i32
    %dma_start3A_28 = tpu.memref_slice %arg5[%dma_start3A_22, %dma_start3A_27] : memref<4x128xi32, #tpu.memory_space<vmem>> -> memref<1x128xi32, #tpu.memory_space<vmem>>
    %dma_start3A_29 = tpu.memref_squeeze %dma_start3A_28 : memref<1x128xi32, #tpu.memory_space<vmem>> -> memref<128xi32, #tpu.memory_space<vmem>>
    %dma_start3A_30 = arith.constant 0 : i32
    %dma_start3A_31 = tpu.memref_slice %arg2[%dma_start3A_30] : memref<100000xi32, #tpu.memory_space<hbm>> -> memref<100000xi32, #tpu.memory_space<hbm>>
    tpu.enqueue_indirect_dma source(%dma_start3A_31 : memref<100000xi32, #tpu.memory_space<hbm>>) target(%dma_start3A_26 : memref<128xi32, #tpu.memory_space<vmem>>) offsets(%dma_start3A_29 : memref<128xi32, #tpu.memory_space<vmem>>) semaphore(%arg7 : memref<!tpu.dma_semaphore, #tpu.memory_space<semaphore_mem>>)
    %dma_start3A_32 = arith.constant 3 : i32
    %dma_start3A_33 = arith.constant 3 : i32
    %dma_start3A_34 = arith.constant 0 : i32
    %dma_start3A_35 = tpu.memref_slice %arg6[%dma_start3A_33, %dma_start3A_34] : memref<4x128xi32, #tpu.memory_space<vmem>> -> memref<1x128xi32, #tpu.memory_space<vmem>>
    %dma_start3A_36 = tpu.memref_squeeze %dma_start3A_35 : memref<1x128xi32, #tpu.memory_space<vmem>> -> memref<128xi32, #tpu.memory_space<vmem>>
    %dma_start3A_37 = arith.constant 0 : i32
    %dma_start3A_38 = tpu.memref_slice %arg5[%dma_start3A_32, %dma_start3A_37] : memref<4x128xi32, #tpu.memory_space<vmem>> -> memref<1x128xi32, #tpu.memory_space<vmem>>
    %dma_start3A_39 = tpu.memref_squeeze %dma_start3A_38 : memref<1x128xi32, #tpu.memory_space<vmem>> -> memref<128xi32, #tpu.memory_space<vmem>>
    %dma_start3A_40 = arith.constant 0 : i32
    %dma_start3A_41 = tpu.memref_slice %arg2[%dma_start3A_40] : memref<100000xi32, #tpu.memory_space<hbm>> -> memref<100000xi32, #tpu.memory_space<hbm>>
    tpu.enqueue_indirect_dma source(%dma_start3A_41 : memref<100000xi32, #tpu.memory_space<hbm>>) target(%dma_start3A_36 : memref<128xi32, #tpu.memory_space<vmem>>) offsets(%dma_start3A_39 : memref<128xi32, #tpu.memory_space<vmem>>) semaphore(%arg7 : memref<!tpu.dma_semaphore, #tpu.memory_space<semaphore_mem>>)
    %dma_wait3A = arith.constant 0 : i32
    %dma_wait3A_42 = arith.constant 0 : i32
    %dma_wait3A_43 = arith.constant 0 : i32
    %dma_wait3A_44 = tpu.memref_slice %arg6[%dma_wait3A_42, %dma_wait3A_43] : memref<4x128xi32, #tpu.memory_space<vmem>> -> memref<1x128xi32, #tpu.memory_space<vmem>>
    %dma_wait3A_45 = tpu.memref_squeeze %dma_wait3A_44 : memref<1x128xi32, #tpu.memory_space<vmem>> -> memref<128xi32, #tpu.memory_space<vmem>>
    %dma_wait3A_46 = arith.constant 0 : i32
    %dma_wait3A_47 = tpu.memref_slice %arg5[%dma_wait3A, %dma_wait3A_46] : memref<4x128xi32, #tpu.memory_space<vmem>> -> memref<1x128xi32, #tpu.memory_space<vmem>>
    %dma_wait3A_48 = tpu.memref_squeeze %dma_wait3A_47 : memref<1x128xi32, #tpu.memory_space<vmem>> -> memref<128xi32, #tpu.memory_space<vmem>>
    %dma_wait3A_49 = arith.constant 0 : i32
    %dma_wait3A_50 = tpu.memref_slice %arg2[%dma_wait3A_49] : memref<100000xi32, #tpu.memory_space<hbm>> -> memref<100000xi32, #tpu.memory_space<hbm>>
    tpu.wait_indirect_dma semaphore(%arg7 : memref<!tpu.dma_semaphore, #tpu.memory_space<semaphore_mem>>) src(%dma_wait3A_50 : memref<100000xi32, #tpu.memory_space<hbm>>) dst(%dma_wait3A_45 : memref<128xi32, #tpu.memory_space<vmem>>)
    %add3A_51 = arith.constant 0 : i32
    %add3A_52 = arith.addi %mul3A_2, %add3A_51 : i32
    %dma_start3A_53 = arith.constant 0 : i32
    %dma_start3A_54 = arith.constant 0 : i32
    %dma_start3A_55 = tpu.memref_slice %arg6[%dma_start3A_53, %dma_start3A_54] : memref<4x128xi32, #tpu.memory_space<vmem>> -> memref<1x128xi32, #tpu.memory_space<vmem>>
    %dma_start3A_56 = tpu.memref_squeeze %dma_start3A_55 : memref<1x128xi32, #tpu.memory_space<vmem>> -> memref<128xi32, #tpu.memory_space<vmem>>
    %dma_start3A_57 = arith.constant 0 : i32
    %dma_start3A_58 = tpu.memref_slice %arg4[%add3A_52, %dma_start3A_57] : memref<128x128xi32, #tpu.memory_space<hbm>> -> memref<1x128xi32, #tpu.memory_space<hbm>>
    %dma_start3A_59 = tpu.memref_squeeze %dma_start3A_58 : memref<1x128xi32, #tpu.memory_space<hbm>> -> memref<128xi32, #tpu.memory_space<hbm>>
    %dma_start3A_60 = arith.constant 0 : i32
    %dma_start3A_61 = tpu.memref_slice %arg4[%add3A_52, %dma_start3A_60] : memref<128x128xi32, #tpu.memory_space<hbm>> -> memref<1x128xi32, #tpu.memory_space<hbm>>
    %dma_start3A_62 = tpu.memref_squeeze %dma_start3A_61 : memref<1x128xi32, #tpu.memory_space<hbm>> -> memref<128xi32, #tpu.memory_space<hbm>>
    %dma_start3A_63 = arith.constant 0 : i32
    %dma_start3A_64 = tpu.memref_slice %arg6[%dma_start3A_53, %dma_start3A_63] : memref<4x128xi32, #tpu.memory_space<vmem>> -> memref<1x128xi32, #tpu.memory_space<vmem>>
    %dma_start3A_65 = tpu.memref_squeeze %dma_start3A_64 : memref<1x128xi32, #tpu.memory_space<vmem>> -> memref<128xi32, #tpu.memory_space<vmem>>
    tpu.enqueue_dma source(%dma_start3A_65 : memref<128xi32, #tpu.memory_space<vmem>>) target(%dma_start3A_62 : memref<128xi32, #tpu.memory_space<hbm>>) target_semaphore(%arg8 : memref<!tpu.dma_semaphore, #tpu.memory_space<semaphore_mem>>)
    %dma_wait3A_66 = arith.constant 1 : i32
    %dma_wait3A_67 = arith.constant 1 : i32
    %dma_wait3A_68 = arith.constant 0 : i32
    %dma_wait3A_69 = tpu.memref_slice %arg6[%dma_wait3A_67, %dma_wait3A_68] : memref<4x128xi32, #tpu.memory_space<vmem>> -> memref<1x128xi32, #tpu.memory_space<vmem>>
    %dma_wait3A_70 = tpu.memref_squeeze %dma_wait3A_69 : memref<1x128xi32, #tpu.memory_space<vmem>> -> memref<128xi32, #tpu.memory_space<vmem>>
    %dma_wait3A_71 = arith.constant 0 : i32
    %dma_wait3A_72 = tpu.memref_slice %arg5[%dma_wait3A_66, %dma_wait3A_71] : memref<4x128xi32, #tpu.memory_space<vmem>> -> memref<1x128xi32, #tpu.memory_space<vmem>>
    %dma_wait3A_73 = tpu.memref_squeeze %dma_wait3A_72 : memref<1x128xi32, #tpu.memory_space<vmem>> -> memref<128xi32, #tpu.memory_space<vmem>>
    %dma_wait3A_74 = arith.constant 0 : i32
    %dma_wait3A_75 = tpu.memref_slice %arg2[%dma_wait3A_74] : memref<100000xi32, #tpu.memory_space<hbm>> -> memref<100000xi32, #tpu.memory_space<hbm>>
    tpu.wait_indirect_dma semaphore(%arg7 : memref<!tpu.dma_semaphore, #tpu.memory_space<semaphore_mem>>) src(%dma_wait3A_75 : memref<100000xi32, #tpu.memory_space<hbm>>) dst(%dma_wait3A_70 : memref<128xi32, #tpu.memory_space<vmem>>)
    %add3A_76 = arith.constant 1 : i32
    %add3A_77 = arith.addi %mul3A_2, %add3A_76 : i32
    %dma_start3A_78 = arith.constant 1 : i32
    %dma_start3A_79 = arith.constant 0 : i32
    %dma_start3A_80 = tpu.memref_slice %arg6[%dma_start3A_78, %dma_start3A_79] : memref<4x128xi32, #tpu.memory_space<vmem>> -> memref<1x128xi32, #tpu.memory_space<vmem>>
    %dma_start3A_81 = tpu.memref_squeeze %dma_start3A_80 : memref<1x128xi32, #tpu.memory_space<vmem>> -> memref<128xi32, #tpu.memory_space<vmem>>
    %dma_start3A_82 = arith.constant 0 : i32
    %dma_start3A_83 = tpu.memref_slice %arg4[%add3A_77, %dma_start3A_82] : memref<128x128xi32, #tpu.memory_space<hbm>> -> memref<1x128xi32, #tpu.memory_space<hbm>>
    %dma_start3A_84 = tpu.memref_squeeze %dma_start3A_83 : memref<1x128xi32, #tpu.memory_space<hbm>> -> memref<128xi32, #tpu.memory_space<hbm>>
    %dma_start3A_85 = arith.constant 0 : i32
    %dma_start3A_86 = tpu.memref_slice %arg4[%add3A_77, %dma_start3A_85] : memref<128x128xi32, #tpu.memory_space<hbm>> -> memref<1x128xi32, #tpu.memory_space<hbm>>
    %dma_start3A_87 = tpu.memref_squeeze %dma_start3A_86 : memref<1x128xi32, #tpu.memory_space<hbm>> -> memref<128xi32, #tpu.memory_space<hbm>>
    %dma_start3A_88 = arith.constant 0 : i32
    %dma_start3A_89 = tpu.memref_slice %arg6[%dma_start3A_78, %dma_start3A_88] : memref<4x128xi32, #tpu.memory_space<vmem>> -> memref<1x128xi32, #tpu.memory_space<vmem>>
    %dma_start3A_90 = tpu.memref_squeeze %dma_start3A_89 : memref<1x128xi32, #tpu.memory_space<vmem>> -> memref<128xi32, #tpu.memory_space<vmem>>
    tpu.enqueue_dma source(%dma_start3A_90 : memref<128xi32, #tpu.memory_space<vmem>>) target(%dma_start3A_87 : memref<128xi32, #tpu.memory_space<hbm>>) target_semaphore(%arg8 : memref<!tpu.dma_semaphore, #tpu.memory_space<semaphore_mem>>)
    %dma_wait3A_91 = arith.constant 2 : i32
    %dma_wait3A_92 = arith.constant 2 : i32
    %dma_wait3A_93 = arith.constant 0 : i32
    %dma_wait3A_94 = tpu.memref_slice %arg6[%dma_wait3A_92, %dma_wait3A_93] : memref<4x128xi32, #tpu.memory_space<vmem>> -> memref<1x128xi32, #tpu.memory_space<vmem>>
    %dma_wait3A_95 = tpu.memref_squeeze %dma_wait3A_94 : memref<1x128xi32, #tpu.memory_space<vmem>> -> memref<128xi32, #tpu.memory_space<vmem>>
    %dma_wait3A_96 = arith.constant 0 : i32
    %dma_wait3A_97 = tpu.memref_slice %arg5[%dma_wait3A_91, %dma_wait3A_96] : memref<4x128xi32, #tpu.memory_space<vmem>> -> memref<1x128xi32, #tpu.memory_space<vmem>>
    %dma_wait3A_98 = tpu.memref_squeeze %dma_wait3A_97 : memref<1x128xi32, #tpu.memory_space<vmem>> -> memref<128xi32, #tpu.memory_space<vmem>>
    %dma_wait3A_99 = arith.constant 0 : i32
    %dma_wait3A_100 = tpu.memref_slice %arg2[%dma_wait3A_99] : memref<100000xi32, #tpu.memory_space<hbm>> -> memref<100000xi32, #tpu.memory_space<hbm>>
    tpu.wait_indirect_dma semaphore(%arg7 : memref<!tpu.dma_semaphore, #tpu.memory_space<semaphore_mem>>) src(%dma_wait3A_100 : memref<100000xi32, #tpu.memory_space<hbm>>) dst(%dma_wait3A_95 : memref<128xi32, #tpu.memory_space<vmem>>)
    %add3A_101 = arith.constant 2 : i32
    %add3A_102 = arith.addi %mul3A_2, %add3A_101 : i32
    %dma_start3A_103 = arith.constant 2 : i32
    %dma_start3A_104 = arith.constant 0 : i32
    %dma_start3A_105 = tpu.memref_slice %arg6[%dma_start3A_103, %dma_start3A_104] : memref<4x128xi32, #tpu.memory_space<vmem>> -> memref<1x128xi32, #tpu.memory_space<vmem>>
    %dma_start3A_106 = tpu.memref_squeeze %dma_start3A_105 : memref<1x128xi32, #tpu.memory_space<vmem>> -> memref<128xi32, #tpu.memory_space<vmem>>
    %dma_start3A_107 = arith.constant 0 : i32
    %dma_start3A_108 = tpu.memref_slice %arg4[%add3A_102, %dma_start3A_107] : memref<128x128xi32, #tpu.memory_space<hbm>> -> memref<1x128xi32, #tpu.memory_space<hbm>>
    %dma_start3A_109 = tpu.memref_squeeze %dma_start3A_108 : memref<1x128xi32, #tpu.memory_space<hbm>> -> memref<128xi32, #tpu.memory_space<hbm>>
    %dma_start3A_110 = arith.constant 0 : i32
    %dma_start3A_111 = tpu.memref_slice %arg4[%add3A_102, %dma_start3A_110] : memref<128x128xi32, #tpu.memory_space<hbm>> -> memref<1x128xi32, #tpu.memory_space<hbm>>
    %dma_start3A_112 = tpu.memref_squeeze %dma_start3A_111 : memref<1x128xi32, #tpu.memory_space<hbm>> -> memref<128xi32, #tpu.memory_space<hbm>>
    %dma_start3A_113 = arith.constant 0 : i32
    %dma_start3A_114 = tpu.memref_slice %arg6[%dma_start3A_103, %dma_start3A_113] : memref<4x128xi32, #tpu.memory_space<vmem>> -> memref<1x128xi32, #tpu.memory_space<vmem>>
    %dma_start3A_115 = tpu.memref_squeeze %dma_start3A_114 : memref<1x128xi32, #tpu.memory_space<vmem>> -> memref<128xi32, #tpu.memory_space<vmem>>
    tpu.enqueue_dma source(%dma_start3A_115 : memref<128xi32, #tpu.memory_space<vmem>>) target(%dma_start3A_112 : memref<128xi32, #tpu.memory_space<hbm>>) target_semaphore(%arg8 : memref<!tpu.dma_semaphore, #tpu.memory_space<semaphore_mem>>)
    %dma_wait3A_116 = arith.constant 3 : i32
    %dma_wait3A_117 = arith.constant 3 : i32
    %dma_wait3A_118 = arith.constant 0 : i32
    %dma_wait3A_119 = tpu.memref_slice %arg6[%dma_wait3A_117, %dma_wait3A_118] : memref<4x128xi32, #tpu.memory_space<vmem>> -> memref<1x128xi32, #tpu.memory_space<vmem>>
    %dma_wait3A_120 = tpu.memref_squeeze %dma_wait3A_119 : memref<1x128xi32, #tpu.memory_space<vmem>> -> memref<128xi32, #tpu.memory_space<vmem>>
    %dma_wait3A_121 = arith.constant 0 : i32
    %dma_wait3A_122 = tpu.memref_slice %arg5[%dma_wait3A_116, %dma_wait3A_121] : memref<4x128xi32, #tpu.memory_space<vmem>> -> memref<1x128xi32, #tpu.memory_space<vmem>>
    %dma_wait3A_123 = tpu.memref_squeeze %dma_wait3A_122 : memref<1x128xi32, #tpu.memory_space<vmem>> -> memref<128xi32, #tpu.memory_space<vmem>>
    %dma_wait3A_124 = arith.constant 0 : i32
    %dma_wait3A_125 = tpu.memref_slice %arg2[%dma_wait3A_124] : memref<100000xi32, #tpu.memory_space<hbm>> -> memref<100000xi32, #tpu.memory_space<hbm>>
    tpu.wait_indirect_dma semaphore(%arg7 : memref<!tpu.dma_semaphore, #tpu.memory_space<semaphore_mem>>) src(%dma_wait3A_125 : memref<100000xi32, #tpu.memory_space<hbm>>) dst(%dma_wait3A_120 : memref<128xi32, #tpu.memory_space<vmem>>)
    %add3A_126 = arith.constant 3 : i32
    %add3A_127 = arith.addi %mul3A_2, %add3A_126 : i32
    %dma_start3A_128 = arith.constant 3 : i32
    %dma_start3A_129 = arith.constant 0 : i32
    %dma_start3A_130 = tpu.memref_slice %arg6[%dma_start3A_128, %dma_start3A_129] : memref<4x128xi32, #tpu.memory_space<vmem>> -> memref<1x128xi32, #tpu.memory_space<vmem>>
    %dma_start3A_131 = tpu.memref_squeeze %dma_start3A_130 : memref<1x128xi32, #tpu.memory_space<vmem>> -> memref<128xi32, #tpu.memory_space<vmem>>
    %dma_start3A_132 = arith.constant 0 : i32
    %dma_start3A_133 = tpu.memref_slice %arg4[%add3A_127, %dma_start3A_132] : memref<128x128xi32, #tpu.memory_space<hbm>> -> memref<1x128xi32, #tpu.memory_space<hbm>>
    %dma_start3A_134 = tpu.memref_squeeze %dma_start3A_133 : memref<1x128xi32, #tpu.memory_space<hbm>> -> memref<128xi32, #tpu.memory_space<hbm>>
    %dma_start3A_135 = arith.constant 0 : i32
    %dma_start3A_136 = tpu.memref_slice %arg4[%add3A_127, %dma_start3A_135] : memref<128x128xi32, #tpu.memory_space<hbm>> -> memref<1x128xi32, #tpu.memory_space<hbm>>
    %dma_start3A_137 = tpu.memref_squeeze %dma_start3A_136 : memref<1x128xi32, #tpu.memory_space<hbm>> -> memref<128xi32, #tpu.memory_space<hbm>>
    %dma_start3A_138 = arith.constant 0 : i32
    %dma_start3A_139 = tpu.memref_slice %arg6[%dma_start3A_128, %dma_start3A_138] : memref<4x128xi32, #tpu.memory_space<vmem>> -> memref<1x128xi32, #tpu.memory_space<vmem>>
    %dma_start3A_140 = tpu.memref_squeeze %dma_start3A_139 : memref<1x128xi32, #tpu.memory_space<vmem>> -> memref<128xi32, #tpu.memory_space<vmem>>
    tpu.enqueue_dma source(%dma_start3A_140 : memref<128xi32, #tpu.memory_space<vmem>>) target(%dma_start3A_137 : memref<128xi32, #tpu.memory_space<hbm>>) target_semaphore(%arg8 : memref<!tpu.dma_semaphore, #tpu.memory_space<semaphore_mem>>)
    %dma_wait3A_141 = arith.constant 0 : i32
    %dma_wait3A_142 = arith.constant 0 : i32
    %dma_wait3A_143 = tpu.memref_slice %arg6[%dma_wait3A_141, %dma_wait3A_142] : memref<4x128xi32, #tpu.memory_space<vmem>> -> memref<1x128xi32, #tpu.memory_space<vmem>>
    %dma_wait3A_144 = tpu.memref_squeeze %dma_wait3A_143 : memref<1x128xi32, #tpu.memory_space<vmem>> -> memref<128xi32, #tpu.memory_space<vmem>>
    %dma_wait3A_145 = arith.constant 0 : i32
    %dma_wait3A_146 = tpu.memref_slice %arg4[%add3A_52, %dma_wait3A_145] : memref<128x128xi32, #tpu.memory_space<hbm>> -> memref<1x128xi32, #tpu.memory_space<hbm>>
    %dma_wait3A_147 = tpu.memref_squeeze %dma_wait3A_146 : memref<1x128xi32, #tpu.memory_space<hbm>> -> memref<128xi32, #tpu.memory_space<hbm>>
    %dma_wait3A_148 = arith.constant 0 : i32
    %dma_wait3A_149 = tpu.memref_slice %arg4[%add3A_52, %dma_wait3A_148] : memref<128x128xi32, #tpu.memory_space<hbm>> -> memref<1x128xi32, #tpu.memory_space<hbm>>
    %dma_wait3A_150 = tpu.memref_squeeze %dma_wait3A_149 : memref<1x128xi32, #tpu.memory_space<hbm>> -> memref<128xi32, #tpu.memory_space<hbm>>
    %dma_wait3A_151 = arith.constant 0 : i32
    %dma_wait3A_152 = tpu.memref_slice %arg6[%dma_wait3A_141, %dma_wait3A_151] : memref<4x128xi32, #tpu.memory_space<vmem>> -> memref<1x128xi32, #tpu.memory_space<vmem>>
    %dma_wait3A_153 = tpu.memref_squeeze %dma_wait3A_152 : memref<1x128xi32, #tpu.memory_space<vmem>> -> memref<128xi32, #tpu.memory_space<vmem>>
    tpu.wait_dma2 semaphore(%arg8 : memref<!tpu.dma_semaphore, #tpu.memory_space<semaphore_mem>>) src(%dma_wait3A_153 : memref<128xi32, #tpu.memory_space<vmem>>) dst(%dma_wait3A_150 : memref<128xi32, #tpu.memory_space<hbm>>)
    %dma_wait3A_154 = arith.constant 1 : i32
    %dma_wait3A_155 = arith.constant 0 : i32
    %dma_wait3A_156 = tpu.memref_slice %arg6[%dma_wait3A_154, %dma_wait3A_155] : memref<4x128xi32, #tpu.memory_space<vmem>> -> memref<1x128xi32, #tpu.memory_space<vmem>>
    %dma_wait3A_157 = tpu.memref_squeeze %dma_wait3A_156 : memref<1x128xi32, #tpu.memory_space<vmem>> -> memref<128xi32, #tpu.memory_space<vmem>>
    %dma_wait3A_158 = arith.constant 0 : i32
    %dma_wait3A_159 = tpu.memref_slice %arg4[%add3A_77, %dma_wait3A_158] : memref<128x128xi32, #tpu.memory_space<hbm>> -> memref<1x128xi32, #tpu.memory_space<hbm>>
    %dma_wait3A_160 = tpu.memref_squeeze %dma_wait3A_159 : memref<1x128xi32, #tpu.memory_space<hbm>> -> memref<128xi32, #tpu.memory_space<hbm>>
    %dma_wait3A_161 = arith.constant 0 : i32
    %dma_wait3A_162 = tpu.memref_slice %arg4[%add3A_77, %dma_wait3A_161] : memref<128x128xi32, #tpu.memory_space<hbm>> -> memref<1x128xi32, #tpu.memory_space<hbm>>
    %dma_wait3A_163 = tpu.memref_squeeze %dma_wait3A_162 : memref<1x128xi32, #tpu.memory_space<hbm>> -> memref<128xi32, #tpu.memory_space<hbm>>
    %dma_wait3A_164 = arith.constant 0 : i32
    %dma_wait3A_165 = tpu.memref_slice %arg6[%dma_wait3A_154, %dma_wait3A_164] : memref<4x128xi32, #tpu.memory_space<vmem>> -> memref<1x128xi32, #tpu.memory_space<vmem>>
    %dma_wait3A_166 = tpu.memref_squeeze %dma_wait3A_165 : memref<1x128xi32, #tpu.memory_space<vmem>> -> memref<128xi32, #tpu.memory_space<vmem>>
    tpu.wait_dma2 semaphore(%arg8 : memref<!tpu.dma_semaphore, #tpu.memory_space<semaphore_mem>>) src(%dma_wait3A_166 : memref<128xi32, #tpu.memory_space<vmem>>) dst(%dma_wait3A_163 : memref<128xi32, #tpu.memory_space<hbm>>)
    %dma_wait3A_167 = arith.constant 2 : i32
    %dma_wait3A_168 = arith.constant 0 : i32
    %dma_wait3A_169 = tpu.memref_slice %arg6[%dma_wait3A_167, %dma_wait3A_168] : memref<4x128xi32, #tpu.memory_space<vmem>> -> memref<1x128xi32, #tpu.memory_space<vmem>>
    %dma_wait3A_170 = tpu.memref_squeeze %dma_wait3A_169 : memref<1x128xi32, #tpu.memory_space<vmem>> -> memref<128xi32, #tpu.memory_space<vmem>>
    %dma_wait3A_171 = arith.constant 0 : i32
    %dma_wait3A_172 = tpu.memref_slice %arg4[%add3A_102, %dma_wait3A_171] : memref<128x128xi32, #tpu.memory_space<hbm>> -> memref<1x128xi32, #tpu.memory_space<hbm>>
    %dma_wait3A_173 = tpu.memref_squeeze %dma_wait3A_172 : memref<1x128xi32, #tpu.memory_space<hbm>> -> memref<128xi32, #tpu.memory_space<hbm>>
    %dma_wait3A_174 = arith.constant 0 : i32
    %dma_wait3A_175 = tpu.memref_slice %arg4[%add3A_102, %dma_wait3A_174] : memref<128x128xi32, #tpu.memory_space<hbm>> -> memref<1x128xi32, #tpu.memory_space<hbm>>
    %dma_wait3A_176 = tpu.memref_squeeze %dma_wait3A_175 : memref<1x128xi32, #tpu.memory_space<hbm>> -> memref<128xi32, #tpu.memory_space<hbm>>
    %dma_wait3A_177 = arith.constant 0 : i32
    %dma_wait3A_178 = tpu.memref_slice %arg6[%dma_wait3A_167, %dma_wait3A_177] : memref<4x128xi32, #tpu.memory_space<vmem>> -> memref<1x128xi32, #tpu.memory_space<vmem>>
    %dma_wait3A_179 = tpu.memref_squeeze %dma_wait3A_178 : memref<1x128xi32, #tpu.memory_space<vmem>> -> memref<128xi32, #tpu.memory_space<vmem>>
    tpu.wait_dma2 semaphore(%arg8 : memref<!tpu.dma_semaphore, #tpu.memory_space<semaphore_mem>>) src(%dma_wait3A_179 : memref<128xi32, #tpu.memory_space<vmem>>) dst(%dma_wait3A_176 : memref<128xi32, #tpu.memory_space<hbm>>)
    %dma_wait3A_180 = arith.constant 3 : i32
    %dma_wait3A_181 = arith.constant 0 : i32
    %dma_wait3A_182 = tpu.memref_slice %arg6[%dma_wait3A_180, %dma_wait3A_181] : memref<4x128xi32, #tpu.memory_space<vmem>> -> memref<1x128xi32, #tpu.memory_space<vmem>>
    %dma_wait3A_183 = tpu.memref_squeeze %dma_wait3A_182 : memref<1x128xi32, #tpu.memory_space<vmem>> -> memref<128xi32, #tpu.memory_space<vmem>>
    %dma_wait3A_184 = arith.constant 0 : i32
    %dma_wait3A_185 = tpu.memref_slice %arg4[%add3A_127, %dma_wait3A_184] : memref<128x128xi32, #tpu.memory_space<hbm>> -> memref<1x128xi32, #tpu.memory_space<hbm>>
    %dma_wait3A_186 = tpu.memref_squeeze %dma_wait3A_185 : memref<1x128xi32, #tpu.memory_space<hbm>> -> memref<128xi32, #tpu.memory_space<hbm>>
    %dma_wait3A_187 = arith.constant 0 : i32
    %dma_wait3A_188 = tpu.memref_slice %arg4[%add3A_127, %dma_wait3A_187] : memref<128x128xi32, #tpu.memory_space<hbm>> -> memref<1x128xi32, #tpu.memory_space<hbm>>
    %dma_wait3A_189 = tpu.memref_squeeze %dma_wait3A_188 : memref<1x128xi32, #tpu.memory_space<hbm>> -> memref<128xi32, #tpu.memory_space<hbm>>
    %dma_wait3A_190 = arith.constant 0 : i32
    %dma_wait3A_191 = tpu.memref_slice %arg6[%dma_wait3A_180, %dma_wait3A_190] : memref<4x128xi32, #tpu.memory_space<vmem>> -> memref<1x128xi32, #tpu.memory_space<vmem>>
    %dma_wait3A_192 = tpu.memref_squeeze %dma_wait3A_191 : memref<1x128xi32, #tpu.memory_space<vmem>> -> memref<128xi32, #tpu.memory_space<vmem>>
    tpu.wait_dma2 semaphore(%arg8 : memref<!tpu.dma_semaphore, #tpu.memory_space<semaphore_mem>>) src(%dma_wait3A_192 : memref<128xi32, #tpu.memory_space<vmem>>) dst(%dma_wait3A_189 : memref<128xi32, #tpu.memory_space<hbm>>)
    return
  }
}

module attributes {stable_mosaic.version = 14 : i64} {
  func.func @_hash_body(%arg0: memref<19xi32, #tpu.memory_space<smem>>, %arg1: memref<128x128xi32, #tpu.memory_space<vmem>>, %arg2: memref<6x4x4096xi32, #tpu.memory_space<vmem>>) attributes {dimension_semantics = [], scalar_prefetch = 0 : i64, scratch_operands = 0 : i64, tpu.core_type = #tpu.core_type<tc>} {
    %get3A = arith.constant 0 : index
    %get3A_0 = arith.constant 0 : index
    %get3A_1 = vector.load %arg1[%get3A, %get3A_0] : memref<128x128xi32, #tpu.memory_space<vmem>>, vector<128x128xi32>
    %reshape3A = vector.shape_cast %get3A_1 : vector<128x128xi32> to vector<4x4096xi32>
    %get3A_2 = arith.constant 18 : index
    %get3A_3 = memref.load %arg0[%get3A_2] : memref<19xi32, #tpu.memory_space<smem>>
    %and3A = arith.constant 65535 : i32
    %and3A_4 = vector.broadcast %and3A : i32 to vector<4x4096xi32>
    %and3A_5 = arith.andi %reshape3A, %and3A_4 : vector<4x4096xi32>
    %shift_right_logical3A = arith.constant 16 : i32
    %shift_right_logical3A_6 = vector.broadcast %shift_right_logical3A : i32 to vector<4x4096xi32>
    %shift_right_logical3A_7 = arith.shrui %reshape3A, %shift_right_logical3A_6 : vector<4x4096xi32>
    %gt3A = arith.constant 0 : i32
    %gt3A_8 = vector.broadcast %gt3A : i32 to vector<4x4096xi32>
    %gt3A_9 = arith.cmpi ugt, %shift_right_logical3A_7, %gt3A_8 : vector<4x4096xi32>
    %get3A_10 = arith.constant 0 : index
    %get3A_11 = memref.load %arg0[%get3A_10] : memref<19xi32, #tpu.memory_space<smem>>
    %get3A_12 = arith.constant 1 : index
    %get3A_13 = memref.load %arg0[%get3A_12] : memref<19xi32, #tpu.memory_space<smem>>
    %get3A_14 = arith.constant 2 : index
    %get3A_15 = memref.load %arg0[%get3A_14] : memref<19xi32, #tpu.memory_space<smem>>
    %mul3A = vector.broadcast %get3A_11 : i32 to vector<4x4096xi32>
    %mul3A_16 = arith.muli %and3A_5, %mul3A : vector<4x4096xi32>
    %mul3A_17 = vector.broadcast %get3A_13 : i32 to vector<4x4096xi32>
    %mul3A_18 = arith.muli %and3A_5, %mul3A_17 : vector<4x4096xi32>
    %mul3A_19 = vector.broadcast %get3A_15 : i32 to vector<4x4096xi32>
    %mul3A_20 = arith.muli %and3A_5, %mul3A_19 : vector<4x4096xi32>
    %jit3A = arith.constant 0 : i32
    %broadcast_in_dim3A = vector.broadcast %get3A_11 : i32 to vector<4x4096xi32>
    %broadcast_in_dim3A_21 = vector.broadcast %jit3A : i32 to vector<4x4096xi32>
    %select_n3A = arith.select %gt3A_9, %broadcast_in_dim3A, %broadcast_in_dim3A_21 : vector<4x4096xi1>, vector<4x4096xi32>
    %jit3A_22 = arith.constant 0 : i32
    %broadcast_in_dim3A_23 = vector.broadcast %get3A_13 : i32 to vector<4x4096xi32>
    %broadcast_in_dim3A_24 = vector.broadcast %jit3A_22 : i32 to vector<4x4096xi32>
    %select_n3A_25 = arith.select %gt3A_9, %broadcast_in_dim3A_23, %broadcast_in_dim3A_24 : vector<4x4096xi1>, vector<4x4096xi32>
    %jit3A_26 = arith.constant 0 : i32
    %broadcast_in_dim3A_27 = vector.broadcast %get3A_15 : i32 to vector<4x4096xi32>
    %broadcast_in_dim3A_28 = vector.broadcast %jit3A_26 : i32 to vector<4x4096xi32>
    %select_n3A_29 = arith.select %gt3A_9, %broadcast_in_dim3A_27, %broadcast_in_dim3A_28 : vector<4x4096xi1>, vector<4x4096xi32>
    %and3A_30 = arith.constant 65535 : i32
    %and3A_31 = vector.broadcast %and3A_30 : i32 to vector<4x4096xi32>
    %and3A_32 = arith.andi %mul3A_16, %and3A_31 : vector<4x4096xi32>
    %shift_right_logical3A_33 = arith.constant 16 : i32
    %shift_right_logical3A_34 = vector.broadcast %shift_right_logical3A_33 : i32 to vector<4x4096xi32>
    %shift_right_logical3A_35 = arith.shrui %mul3A_16, %shift_right_logical3A_34 : vector<4x4096xi32>
    %and3A_36 = arith.constant 65535 : i32
    %and3A_37 = vector.broadcast %and3A_36 : i32 to vector<4x4096xi32>
    %and3A_38 = arith.andi %mul3A_18, %and3A_37 : vector<4x4096xi32>
    %add3A = arith.addi %shift_right_logical3A_35, %and3A_38 : vector<4x4096xi32>
    %add3A_39 = arith.addi %add3A, %select_n3A : vector<4x4096xi32>
    %shift_right_logical3A_40 = arith.constant 16 : i32
    %shift_right_logical3A_41 = vector.broadcast %shift_right_logical3A_40 : i32 to vector<4x4096xi32>
    %shift_right_logical3A_42 = arith.shrui %add3A_39, %shift_right_logical3A_41 : vector<4x4096xi32>
    %shift_right_logical3A_43 = arith.constant 16 : i32
    %shift_right_logical3A_44 = vector.broadcast %shift_right_logical3A_43 : i32 to vector<4x4096xi32>
    %shift_right_logical3A_45 = arith.shrui %mul3A_18, %shift_right_logical3A_44 : vector<4x4096xi32>
    %add3A_46 = arith.addi %shift_right_logical3A_42, %shift_right_logical3A_45 : vector<4x4096xi32>
    %and3A_47 = arith.constant 65535 : i32
    %and3A_48 = vector.broadcast %and3A_47 : i32 to vector<4x4096xi32>
    %and3A_49 = arith.andi %mul3A_20, %and3A_48 : vector<4x4096xi32>
    %add3A_50 = arith.addi %add3A_46, %and3A_49 : vector<4x4096xi32>
    %add3A_51 = arith.addi %add3A_50, %select_n3A_25 : vector<4x4096xi32>
    %shift_right_logical3A_52 = arith.constant 16 : i32
    %shift_right_logical3A_53 = vector.broadcast %shift_right_logical3A_52 : i32 to vector<4x4096xi32>
    %shift_right_logical3A_54 = arith.shrui %add3A_51, %shift_right_logical3A_53 : vector<4x4096xi32>
    %shift_right_logical3A_55 = arith.constant 16 : i32
    %shift_right_logical3A_56 = vector.broadcast %shift_right_logical3A_55 : i32 to vector<4x4096xi32>
    %shift_right_logical3A_57 = arith.shrui %mul3A_20, %shift_right_logical3A_56 : vector<4x4096xi32>
    %add3A_58 = arith.addi %shift_right_logical3A_54, %shift_right_logical3A_57 : vector<4x4096xi32>
    %add3A_59 = arith.addi %add3A_58, %select_n3A_29 : vector<4x4096xi32>
    %and3A_60 = arith.constant 65535 : i32
    %and3A_61 = vector.broadcast %and3A_60 : i32 to vector<4x4096xi32>
    %and3A_62 = arith.andi %add3A_39, %and3A_61 : vector<4x4096xi32>
    %shift_left3A = arith.constant 16 : i32
    %shift_left3A_63 = vector.broadcast %shift_left3A : i32 to vector<4x4096xi32>
    %shift_left3A_64 = arith.shli %and3A_62, %shift_left3A_63 : vector<4x4096xi32>
    %or3A = arith.ori %and3A_32, %shift_left3A_64 : vector<4x4096xi32>
    %and3A_65 = arith.constant 65535 : i32
    %and3A_66 = vector.broadcast %and3A_65 : i32 to vector<4x4096xi32>
    %and3A_67 = arith.andi %add3A_51, %and3A_66 : vector<4x4096xi32>
    %and3A_68 = arith.constant 65535 : i32
    %and3A_69 = vector.broadcast %and3A_68 : i32 to vector<4x4096xi32>
    %and3A_70 = arith.andi %add3A_59, %and3A_69 : vector<4x4096xi32>
    %shift_left3A_71 = arith.constant 16 : i32
    %shift_left3A_72 = vector.broadcast %shift_left3A_71 : i32 to vector<4x4096xi32>
    %shift_left3A_73 = arith.shli %and3A_70, %shift_left3A_72 : vector<4x4096xi32>
    %or3A_74 = arith.ori %and3A_67, %shift_left3A_73 : vector<4x4096xi32>
    %broadcast_in_dim3A_75 = vector.broadcast %get3A_3 : i32 to vector<4x1xi32>
    %slice3A = vector.extract_strided_slice %reshape3A {offsets = [0, 0], sizes = [4, 4095], strides = [1, 1]} : vector<4x4096xi32> to vector<4x4095xi32>
    %concatenate3A = tpu.concatenate %broadcast_in_dim3A_75, %slice3A in 1 : vector<4x1xi32>, vector<4x4095xi32> -> vector<4x4096xi32>
    %and3A_76 = arith.constant 65535 : i32
    %and3A_77 = vector.broadcast %and3A_76 : i32 to vector<4x4096xi32>
    %and3A_78 = arith.andi %concatenate3A, %and3A_77 : vector<4x4096xi32>
    %shift_right_logical3A_79 = arith.constant 16 : i32
    %shift_right_logical3A_80 = vector.broadcast %shift_right_logical3A_79 : i32 to vector<4x4096xi32>
    %shift_right_logical3A_81 = arith.shrui %concatenate3A, %shift_right_logical3A_80 : vector<4x4096xi32>
    %gt3A_82 = arith.constant 0 : i32
    %gt3A_83 = vector.broadcast %gt3A_82 : i32 to vector<4x4096xi32>
    %gt3A_84 = arith.cmpi ugt, %shift_right_logical3A_81, %gt3A_83 : vector<4x4096xi32>
    %get3A_85 = arith.constant 3 : index
    %get3A_86 = memref.load %arg0[%get3A_85] : memref<19xi32, #tpu.memory_space<smem>>
    %get3A_87 = arith.constant 4 : index
    %get3A_88 = memref.load %arg0[%get3A_87] : memref<19xi32, #tpu.memory_space<smem>>
    %get3A_89 = arith.constant 5 : index
    %get3A_90 = memref.load %arg0[%get3A_89] : memref<19xi32, #tpu.memory_space<smem>>
    %mul3A_91 = vector.broadcast %get3A_86 : i32 to vector<4x4096xi32>
    %mul3A_92 = arith.muli %and3A_78, %mul3A_91 : vector<4x4096xi32>
    %mul3A_93 = vector.broadcast %get3A_88 : i32 to vector<4x4096xi32>
    %mul3A_94 = arith.muli %and3A_78, %mul3A_93 : vector<4x4096xi32>
    %mul3A_95 = vector.broadcast %get3A_90 : i32 to vector<4x4096xi32>
    %mul3A_96 = arith.muli %and3A_78, %mul3A_95 : vector<4x4096xi32>
    %jit3A_97 = arith.constant 0 : i32
    %broadcast_in_dim3A_98 = vector.broadcast %get3A_86 : i32 to vector<4x4096xi32>
    %broadcast_in_dim3A_99 = vector.broadcast %jit3A_97 : i32 to vector<4x4096xi32>
    %select_n3A_100 = arith.select %gt3A_84, %broadcast_in_dim3A_98, %broadcast_in_dim3A_99 : vector<4x4096xi1>, vector<4x4096xi32>
    %jit3A_101 = arith.constant 0 : i32
    %broadcast_in_dim3A_102 = vector.broadcast %get3A_88 : i32 to vector<4x4096xi32>
    %broadcast_in_dim3A_103 = vector.broadcast %jit3A_101 : i32 to vector<4x4096xi32>
    %select_n3A_104 = arith.select %gt3A_84, %broadcast_in_dim3A_102, %broadcast_in_dim3A_103 : vector<4x4096xi1>, vector<4x4096xi32>
    %jit3A_105 = arith.constant 0 : i32
    %broadcast_in_dim3A_106 = vector.broadcast %get3A_90 : i32 to vector<4x4096xi32>
    %broadcast_in_dim3A_107 = vector.broadcast %jit3A_105 : i32 to vector<4x4096xi32>
    %select_n3A_108 = arith.select %gt3A_84, %broadcast_in_dim3A_106, %broadcast_in_dim3A_107 : vector<4x4096xi1>, vector<4x4096xi32>
    %and3A_109 = arith.constant 65535 : i32
    %and3A_110 = vector.broadcast %and3A_109 : i32 to vector<4x4096xi32>
    %and3A_111 = arith.andi %mul3A_92, %and3A_110 : vector<4x4096xi32>
    %shift_right_logical3A_112 = arith.constant 16 : i32
    %shift_right_logical3A_113 = vector.broadcast %shift_right_logical3A_112 : i32 to vector<4x4096xi32>
    %shift_right_logical3A_114 = arith.shrui %mul3A_92, %shift_right_logical3A_113 : vector<4x4096xi32>
    %and3A_115 = arith.constant 65535 : i32
    %and3A_116 = vector.broadcast %and3A_115 : i32 to vector<4x4096xi32>
    %and3A_117 = arith.andi %mul3A_94, %and3A_116 : vector<4x4096xi32>
    %add3A_118 = arith.addi %shift_right_logical3A_114, %and3A_117 : vector<4x4096xi32>
    %add3A_119 = arith.addi %add3A_118, %select_n3A_100 : vector<4x4096xi32>
    %shift_right_logical3A_120 = arith.constant 16 : i32
    %shift_right_logical3A_121 = vector.broadcast %shift_right_logical3A_120 : i32 to vector<4x4096xi32>
    %shift_right_logical3A_122 = arith.shrui %add3A_119, %shift_right_logical3A_121 : vector<4x4096xi32>
    %shift_right_logical3A_123 = arith.constant 16 : i32
    %shift_right_logical3A_124 = vector.broadcast %shift_right_logical3A_123 : i32 to vector<4x4096xi32>
    %shift_right_logical3A_125 = arith.shrui %mul3A_94, %shift_right_logical3A_124 : vector<4x4096xi32>
    %add3A_126 = arith.addi %shift_right_logical3A_122, %shift_right_logical3A_125 : vector<4x4096xi32>
    %and3A_127 = arith.constant 65535 : i32
    %and3A_128 = vector.broadcast %and3A_127 : i32 to vector<4x4096xi32>
    %and3A_129 = arith.andi %mul3A_96, %and3A_128 : vector<4x4096xi32>
    %add3A_130 = arith.addi %add3A_126, %and3A_129 : vector<4x4096xi32>
    %add3A_131 = arith.addi %add3A_130, %select_n3A_104 : vector<4x4096xi32>
    %shift_right_logical3A_132 = arith.constant 16 : i32
    %shift_right_logical3A_133 = vector.broadcast %shift_right_logical3A_132 : i32 to vector<4x4096xi32>
    %shift_right_logical3A_134 = arith.shrui %add3A_131, %shift_right_logical3A_133 : vector<4x4096xi32>
    %shift_right_logical3A_135 = arith.constant 16 : i32
    %shift_right_logical3A_136 = vector.broadcast %shift_right_logical3A_135 : i32 to vector<4x4096xi32>
    %shift_right_logical3A_137 = arith.shrui %mul3A_96, %shift_right_logical3A_136 : vector<4x4096xi32>
    %add3A_138 = arith.addi %shift_right_logical3A_134, %shift_right_logical3A_137 : vector<4x4096xi32>
    %add3A_139 = arith.addi %add3A_138, %select_n3A_108 : vector<4x4096xi32>
    %and3A_140 = arith.constant 65535 : i32
    %and3A_141 = vector.broadcast %and3A_140 : i32 to vector<4x4096xi32>
    %and3A_142 = arith.andi %add3A_119, %and3A_141 : vector<4x4096xi32>
    %shift_left3A_143 = arith.constant 16 : i32
    %shift_left3A_144 = vector.broadcast %shift_left3A_143 : i32 to vector<4x4096xi32>
    %shift_left3A_145 = arith.shli %and3A_142, %shift_left3A_144 : vector<4x4096xi32>
    %or3A_146 = arith.ori %and3A_111, %shift_left3A_145 : vector<4x4096xi32>
    %and3A_147 = arith.constant 65535 : i32
    %and3A_148 = vector.broadcast %and3A_147 : i32 to vector<4x4096xi32>
    %and3A_149 = arith.andi %add3A_131, %and3A_148 : vector<4x4096xi32>
    %and3A_150 = arith.constant 65535 : i32
    %and3A_151 = vector.broadcast %and3A_150 : i32 to vector<4x4096xi32>
    %and3A_152 = arith.andi %add3A_139, %and3A_151 : vector<4x4096xi32>
    %shift_left3A_153 = arith.constant 16 : i32
    %shift_left3A_154 = vector.broadcast %shift_left3A_153 : i32 to vector<4x4096xi32>
    %shift_left3A_155 = arith.shli %and3A_152, %shift_left3A_154 : vector<4x4096xi32>
    %or3A_156 = arith.ori %and3A_149, %shift_left3A_155 : vector<4x4096xi32>
    %broadcast_in_dim3A_157 = vector.broadcast %get3A_3 : i32 to vector<4x2xi32>
    %slice3A_158 = vector.extract_strided_slice %reshape3A {offsets = [0, 0], sizes = [4, 4094], strides = [1, 1]} : vector<4x4096xi32> to vector<4x4094xi32>
    %concatenate3A_159 = tpu.concatenate %broadcast_in_dim3A_157, %slice3A_158 in 1 : vector<4x2xi32>, vector<4x4094xi32> -> vector<4x4096xi32>
    %and3A_160 = arith.constant 65535 : i32
    %and3A_161 = vector.broadcast %and3A_160 : i32 to vector<4x4096xi32>
    %and3A_162 = arith.andi %concatenate3A_159, %and3A_161 : vector<4x4096xi32>
    %shift_right_logical3A_163 = arith.constant 16 : i32
    %shift_right_logical3A_164 = vector.broadcast %shift_right_logical3A_163 : i32 to vector<4x4096xi32>
    %shift_right_logical3A_165 = arith.shrui %concatenate3A_159, %shift_right_logical3A_164 : vector<4x4096xi32>
    %gt3A_166 = arith.constant 0 : i32
    %gt3A_167 = vector.broadcast %gt3A_166 : i32 to vector<4x4096xi32>
    %gt3A_168 = arith.cmpi ugt, %shift_right_logical3A_165, %gt3A_167 : vector<4x4096xi32>
    %get3A_169 = arith.constant 6 : index
    %get3A_170 = memref.load %arg0[%get3A_169] : memref<19xi32, #tpu.memory_space<smem>>
    %get3A_171 = arith.constant 7 : index
    %get3A_172 = memref.load %arg0[%get3A_171] : memref<19xi32, #tpu.memory_space<smem>>
    %get3A_173 = arith.constant 8 : index
    %get3A_174 = memref.load %arg0[%get3A_173] : memref<19xi32, #tpu.memory_space<smem>>
    %mul3A_175 = vector.broadcast %get3A_170 : i32 to vector<4x4096xi32>
    %mul3A_176 = arith.muli %and3A_162, %mul3A_175 : vector<4x4096xi32>
    %mul3A_177 = vector.broadcast %get3A_172 : i32 to vector<4x4096xi32>
    %mul3A_178 = arith.muli %and3A_162, %mul3A_177 : vector<4x4096xi32>
    %mul3A_179 = vector.broadcast %get3A_174 : i32 to vector<4x4096xi32>
    %mul3A_180 = arith.muli %and3A_162, %mul3A_179 : vector<4x4096xi32>
    %jit3A_181 = arith.constant 0 : i32
    %broadcast_in_dim3A_182 = vector.broadcast %get3A_170 : i32 to vector<4x4096xi32>
    %broadcast_in_dim3A_183 = vector.broadcast %jit3A_181 : i32 to vector<4x4096xi32>
    %select_n3A_184 = arith.select %gt3A_168, %broadcast_in_dim3A_182, %broadcast_in_dim3A_183 : vector<4x4096xi1>, vector<4x4096xi32>
    %jit3A_185 = arith.constant 0 : i32
    %broadcast_in_dim3A_186 = vector.broadcast %get3A_172 : i32 to vector<4x4096xi32>
    %broadcast_in_dim3A_187 = vector.broadcast %jit3A_185 : i32 to vector<4x4096xi32>
    %select_n3A_188 = arith.select %gt3A_168, %broadcast_in_dim3A_186, %broadcast_in_dim3A_187 : vector<4x4096xi1>, vector<4x4096xi32>
    %jit3A_189 = arith.constant 0 : i32
    %broadcast_in_dim3A_190 = vector.broadcast %get3A_174 : i32 to vector<4x4096xi32>
    %broadcast_in_dim3A_191 = vector.broadcast %jit3A_189 : i32 to vector<4x4096xi32>
    %select_n3A_192 = arith.select %gt3A_168, %broadcast_in_dim3A_190, %broadcast_in_dim3A_191 : vector<4x4096xi1>, vector<4x4096xi32>
    %and3A_193 = arith.constant 65535 : i32
    %and3A_194 = vector.broadcast %and3A_193 : i32 to vector<4x4096xi32>
    %and3A_195 = arith.andi %mul3A_176, %and3A_194 : vector<4x4096xi32>
    %shift_right_logical3A_196 = arith.constant 16 : i32
    %shift_right_logical3A_197 = vector.broadcast %shift_right_logical3A_196 : i32 to vector<4x4096xi32>
    %shift_right_logical3A_198 = arith.shrui %mul3A_176, %shift_right_logical3A_197 : vector<4x4096xi32>
    %and3A_199 = arith.constant 65535 : i32
    %and3A_200 = vector.broadcast %and3A_199 : i32 to vector<4x4096xi32>
    %and3A_201 = arith.andi %mul3A_178, %and3A_200 : vector<4x4096xi32>
    %add3A_202 = arith.addi %shift_right_logical3A_198, %and3A_201 : vector<4x4096xi32>
    %add3A_203 = arith.addi %add3A_202, %select_n3A_184 : vector<4x4096xi32>
    %shift_right_logical3A_204 = arith.constant 16 : i32
    %shift_right_logical3A_205 = vector.broadcast %shift_right_logical3A_204 : i32 to vector<4x4096xi32>
    %shift_right_logical3A_206 = arith.shrui %add3A_203, %shift_right_logical3A_205 : vector<4x4096xi32>
    %shift_right_logical3A_207 = arith.constant 16 : i32
    %shift_right_logical3A_208 = vector.broadcast %shift_right_logical3A_207 : i32 to vector<4x4096xi32>
    %shift_right_logical3A_209 = arith.shrui %mul3A_178, %shift_right_logical3A_208 : vector<4x4096xi32>
    %add3A_210 = arith.addi %shift_right_logical3A_206, %shift_right_logical3A_209 : vector<4x4096xi32>
    %and3A_211 = arith.constant 65535 : i32
    %and3A_212 = vector.broadcast %and3A_211 : i32 to vector<4x4096xi32>
    %and3A_213 = arith.andi %mul3A_180, %and3A_212 : vector<4x4096xi32>
    %add3A_214 = arith.addi %add3A_210, %and3A_213 : vector<4x4096xi32>
    %add3A_215 = arith.addi %add3A_214, %select_n3A_188 : vector<4x4096xi32>
    %shift_right_logical3A_216 = arith.constant 16 : i32
    %shift_right_logical3A_217 = vector.broadcast %shift_right_logical3A_216 : i32 to vector<4x4096xi32>
    %shift_right_logical3A_218 = arith.shrui %add3A_215, %shift_right_logical3A_217 : vector<4x4096xi32>
    %shift_right_logical3A_219 = arith.constant 16 : i32
    %shift_right_logical3A_220 = vector.broadcast %shift_right_logical3A_219 : i32 to vector<4x4096xi32>
    %shift_right_logical3A_221 = arith.shrui %mul3A_180, %shift_right_logical3A_220 : vector<4x4096xi32>
    %add3A_222 = arith.addi %shift_right_logical3A_218, %shift_right_logical3A_221 : vector<4x4096xi32>
    %add3A_223 = arith.addi %add3A_222, %select_n3A_192 : vector<4x4096xi32>
    %and3A_224 = arith.constant 65535 : i32
    %and3A_225 = vector.broadcast %and3A_224 : i32 to vector<4x4096xi32>
    %and3A_226 = arith.andi %add3A_203, %and3A_225 : vector<4x4096xi32>
    %shift_left3A_227 = arith.constant 16 : i32
    %shift_left3A_228 = vector.broadcast %shift_left3A_227 : i32 to vector<4x4096xi32>
    %shift_left3A_229 = arith.shli %and3A_226, %shift_left3A_228 : vector<4x4096xi32>
    %or3A_230 = arith.ori %and3A_195, %shift_left3A_229 : vector<4x4096xi32>
    %and3A_231 = arith.constant 65535 : i32
    %and3A_232 = vector.broadcast %and3A_231 : i32 to vector<4x4096xi32>
    %and3A_233 = arith.andi %add3A_215, %and3A_232 : vector<4x4096xi32>
    %and3A_234 = arith.constant 65535 : i32
    %and3A_235 = vector.broadcast %and3A_234 : i32 to vector<4x4096xi32>
    %and3A_236 = arith.andi %add3A_223, %and3A_235 : vector<4x4096xi32>
    %shift_left3A_237 = arith.constant 16 : i32
    %shift_left3A_238 = vector.broadcast %shift_left3A_237 : i32 to vector<4x4096xi32>
    %shift_left3A_239 = arith.shli %and3A_236, %shift_left3A_238 : vector<4x4096xi32>
    %or3A_240 = arith.ori %and3A_233, %shift_left3A_239 : vector<4x4096xi32>
    %broadcast_in_dim3A_241 = vector.broadcast %get3A_3 : i32 to vector<4x3xi32>
    %slice3A_242 = vector.extract_strided_slice %reshape3A {offsets = [0, 0], sizes = [4, 4093], strides = [1, 1]} : vector<4x4096xi32> to vector<4x4093xi32>
    %concatenate3A_243 = tpu.concatenate %broadcast_in_dim3A_241, %slice3A_242 in 1 : vector<4x3xi32>, vector<4x4093xi32> -> vector<4x4096xi32>
    %and3A_244 = arith.constant 65535 : i32
    %and3A_245 = vector.broadcast %and3A_244 : i32 to vector<4x4096xi32>
    %and3A_246 = arith.andi %concatenate3A_243, %and3A_245 : vector<4x4096xi32>
    %shift_right_logical3A_247 = arith.constant 16 : i32
    %shift_right_logical3A_248 = vector.broadcast %shift_right_logical3A_247 : i32 to vector<4x4096xi32>
    %shift_right_logical3A_249 = arith.shrui %concatenate3A_243, %shift_right_logical3A_248 : vector<4x4096xi32>
    %gt3A_250 = arith.constant 0 : i32
    %gt3A_251 = vector.broadcast %gt3A_250 : i32 to vector<4x4096xi32>
    %gt3A_252 = arith.cmpi ugt, %shift_right_logical3A_249, %gt3A_251 : vector<4x4096xi32>
    %get3A_253 = arith.constant 9 : index
    %get3A_254 = memref.load %arg0[%get3A_253] : memref<19xi32, #tpu.memory_space<smem>>
    %get3A_255 = arith.constant 10 : index
    %get3A_256 = memref.load %arg0[%get3A_255] : memref<19xi32, #tpu.memory_space<smem>>
    %get3A_257 = arith.constant 11 : index
    %get3A_258 = memref.load %arg0[%get3A_257] : memref<19xi32, #tpu.memory_space<smem>>
    %mul3A_259 = vector.broadcast %get3A_254 : i32 to vector<4x4096xi32>
    %mul3A_260 = arith.muli %and3A_246, %mul3A_259 : vector<4x4096xi32>
    %mul3A_261 = vector.broadcast %get3A_256 : i32 to vector<4x4096xi32>
    %mul3A_262 = arith.muli %and3A_246, %mul3A_261 : vector<4x4096xi32>
    %mul3A_263 = vector.broadcast %get3A_258 : i32 to vector<4x4096xi32>
    %mul3A_264 = arith.muli %and3A_246, %mul3A_263 : vector<4x4096xi32>
    %jit3A_265 = arith.constant 0 : i32
    %broadcast_in_dim3A_266 = vector.broadcast %get3A_254 : i32 to vector<4x4096xi32>
    %broadcast_in_dim3A_267 = vector.broadcast %jit3A_265 : i32 to vector<4x4096xi32>
    %select_n3A_268 = arith.select %gt3A_252, %broadcast_in_dim3A_266, %broadcast_in_dim3A_267 : vector<4x4096xi1>, vector<4x4096xi32>
    %jit3A_269 = arith.constant 0 : i32
    %broadcast_in_dim3A_270 = vector.broadcast %get3A_256 : i32 to vector<4x4096xi32>
    %broadcast_in_dim3A_271 = vector.broadcast %jit3A_269 : i32 to vector<4x4096xi32>
    %select_n3A_272 = arith.select %gt3A_252, %broadcast_in_dim3A_270, %broadcast_in_dim3A_271 : vector<4x4096xi1>, vector<4x4096xi32>
    %jit3A_273 = arith.constant 0 : i32
    %broadcast_in_dim3A_274 = vector.broadcast %get3A_258 : i32 to vector<4x4096xi32>
    %broadcast_in_dim3A_275 = vector.broadcast %jit3A_273 : i32 to vector<4x4096xi32>
    %select_n3A_276 = arith.select %gt3A_252, %broadcast_in_dim3A_274, %broadcast_in_dim3A_275 : vector<4x4096xi1>, vector<4x4096xi32>
    %and3A_277 = arith.constant 65535 : i32
    %and3A_278 = vector.broadcast %and3A_277 : i32 to vector<4x4096xi32>
    %and3A_279 = arith.andi %mul3A_260, %and3A_278 : vector<4x4096xi32>
    %shift_right_logical3A_280 = arith.constant 16 : i32
    %shift_right_logical3A_281 = vector.broadcast %shift_right_logical3A_280 : i32 to vector<4x4096xi32>
    %shift_right_logical3A_282 = arith.shrui %mul3A_260, %shift_right_logical3A_281 : vector<4x4096xi32>
    %and3A_283 = arith.constant 65535 : i32
    %and3A_284 = vector.broadcast %and3A_283 : i32 to vector<4x4096xi32>
    %and3A_285 = arith.andi %mul3A_262, %and3A_284 : vector<4x4096xi32>
    %add3A_286 = arith.addi %shift_right_logical3A_282, %and3A_285 : vector<4x4096xi32>
    %add3A_287 = arith.addi %add3A_286, %select_n3A_268 : vector<4x4096xi32>
    %shift_right_logical3A_288 = arith.constant 16 : i32
    %shift_right_logical3A_289 = vector.broadcast %shift_right_logical3A_288 : i32 to vector<4x4096xi32>
    %shift_right_logical3A_290 = arith.shrui %add3A_287, %shift_right_logical3A_289 : vector<4x4096xi32>
    %shift_right_logical3A_291 = arith.constant 16 : i32
    %shift_right_logical3A_292 = vector.broadcast %shift_right_logical3A_291 : i32 to vector<4x4096xi32>
    %shift_right_logical3A_293 = arith.shrui %mul3A_262, %shift_right_logical3A_292 : vector<4x4096xi32>
    %add3A_294 = arith.addi %shift_right_logical3A_290, %shift_right_logical3A_293 : vector<4x4096xi32>
    %and3A_295 = arith.constant 65535 : i32
    %and3A_296 = vector.broadcast %and3A_295 : i32 to vector<4x4096xi32>
    %and3A_297 = arith.andi %mul3A_264, %and3A_296 : vector<4x4096xi32>
    %add3A_298 = arith.addi %add3A_294, %and3A_297 : vector<4x4096xi32>
    %add3A_299 = arith.addi %add3A_298, %select_n3A_272 : vector<4x4096xi32>
    %shift_right_logical3A_300 = arith.constant 16 : i32
    %shift_right_logical3A_301 = vector.broadcast %shift_right_logical3A_300 : i32 to vector<4x4096xi32>
    %shift_right_logical3A_302 = arith.shrui %add3A_299, %shift_right_logical3A_301 : vector<4x4096xi32>
    %shift_right_logical3A_303 = arith.constant 16 : i32
    %shift_right_logical3A_304 = vector.broadcast %shift_right_logical3A_303 : i32 to vector<4x4096xi32>
    %shift_right_logical3A_305 = arith.shrui %mul3A_264, %shift_right_logical3A_304 : vector<4x4096xi32>
    %add3A_306 = arith.addi %shift_right_logical3A_302, %shift_right_logical3A_305 : vector<4x4096xi32>
    %add3A_307 = arith.addi %add3A_306, %select_n3A_276 : vector<4x4096xi32>
    %and3A_308 = arith.constant 65535 : i32
    %and3A_309 = vector.broadcast %and3A_308 : i32 to vector<4x4096xi32>
    %and3A_310 = arith.andi %add3A_287, %and3A_309 : vector<4x4096xi32>
    %shift_left3A_311 = arith.constant 16 : i32
    %shift_left3A_312 = vector.broadcast %shift_left3A_311 : i32 to vector<4x4096xi32>
    %shift_left3A_313 = arith.shli %and3A_310, %shift_left3A_312 : vector<4x4096xi32>
    %or3A_314 = arith.ori %and3A_279, %shift_left3A_313 : vector<4x4096xi32>
    %and3A_315 = arith.constant 65535 : i32
    %and3A_316 = vector.broadcast %and3A_315 : i32 to vector<4x4096xi32>
    %and3A_317 = arith.andi %add3A_299, %and3A_316 : vector<4x4096xi32>
    %and3A_318 = arith.constant 65535 : i32
    %and3A_319 = vector.broadcast %and3A_318 : i32 to vector<4x4096xi32>
    %and3A_320 = arith.andi %add3A_307, %and3A_319 : vector<4x4096xi32>
    %shift_left3A_321 = arith.constant 16 : i32
    %shift_left3A_322 = vector.broadcast %shift_left3A_321 : i32 to vector<4x4096xi32>
    %shift_left3A_323 = arith.shli %and3A_320, %shift_left3A_322 : vector<4x4096xi32>
    %or3A_324 = arith.ori %and3A_317, %shift_left3A_323 : vector<4x4096xi32>
    %xor3A = arith.xori %or3A_74, %or3A_156 : vector<4x4096xi32>
    %xor3A_325 = arith.xori %or3A, %or3A_146 : vector<4x4096xi32>
    %shift_right_logical3A_326 = arith.constant 16 : i32
    %shift_right_logical3A_327 = vector.broadcast %shift_right_logical3A_326 : i32 to vector<4x4096xi32>
    %shift_right_logical3A_328 = arith.shrui %xor3A_325, %shift_right_logical3A_327 : vector<4x4096xi32>
    %and3A_329 = arith.constant 65535 : i32
    %and3A_330 = vector.broadcast %and3A_329 : i32 to vector<4x4096xi32>
    %and3A_331 = arith.andi %xor3A_325, %and3A_330 : vector<4x4096xi32>
    %get3A_332 = arith.constant 12 : index
    %get3A_333 = memref.load %arg0[%get3A_332] : memref<19xi32, #tpu.memory_space<smem>>
    %convert_element_type3A = arith.sitofp %get3A_333 : i32 to f32
    %div3A = arith.constant 1.000000e+00 : f32
    %div3A_334 = arith.divf %div3A, %convert_element_type3A : f32
    %convert_element_type3A_335 = arith.sitofp %xor3A : vector<4x4096xi32> to vector<4x4096xf32>
    %mul3A_336 = vector.broadcast %div3A_334 : f32 to vector<4x4096xf32>
    %mul3A_337 = arith.mulf %convert_element_type3A_335, %mul3A_336 : vector<4x4096xf32>
    %convert_element_type3A_338 = arith.fptosi %mul3A_337 : vector<4x4096xf32> to vector<4x4096xi32>
    %mul3A_339 = vector.broadcast %get3A_333 : i32 to vector<4x4096xi32>
    %mul3A_340 = arith.muli %convert_element_type3A_338, %mul3A_339 : vector<4x4096xi32>
    %sub3A = arith.subi %xor3A, %mul3A_340 : vector<4x4096xi32>
    %lt3A = arith.constant 0 : i32
    %lt3A_341 = vector.broadcast %lt3A : i32 to vector<4x4096xi32>
    %lt3A_342 = arith.cmpi slt, %sub3A, %lt3A_341 : vector<4x4096xi32>
    %add3A_343 = vector.broadcast %get3A_333 : i32 to vector<4x4096xi32>
    %add3A_344 = arith.addi %sub3A, %add3A_343 : vector<4x4096xi32>
    %select_n3A_345 = arith.select %lt3A_342, %add3A_344, %sub3A : vector<4x4096xi1>, vector<4x4096xi32>
    %ge3A = vector.broadcast %get3A_333 : i32 to vector<4x4096xi32>
    %ge3A_346 = arith.cmpi sge, %select_n3A_345, %ge3A : vector<4x4096xi32>
    %sub3A_347 = vector.broadcast %get3A_333 : i32 to vector<4x4096xi32>
    %sub3A_348 = arith.subi %select_n3A_345, %sub3A_347 : vector<4x4096xi32>
    %select_n3A_349 = arith.select %ge3A_346, %sub3A_348, %select_n3A_345 : vector<4x4096xi1>, vector<4x4096xi32>
    %shift_left3A_350 = arith.constant 14 : i32
    %shift_left3A_351 = vector.broadcast %shift_left3A_350 : i32 to vector<4x4096xi32>
    %shift_left3A_352 = arith.shli %select_n3A_349, %shift_left3A_351 : vector<4x4096xi32>
    %convert_element_type3A_353 = arith.sitofp %shift_left3A_352 : vector<4x4096xi32> to vector<4x4096xf32>
    %mul3A_354 = vector.broadcast %div3A_334 : f32 to vector<4x4096xf32>
    %mul3A_355 = arith.mulf %convert_element_type3A_353, %mul3A_354 : vector<4x4096xf32>
    %convert_element_type3A_356 = arith.fptosi %mul3A_355 : vector<4x4096xf32> to vector<4x4096xi32>
    %mul3A_357 = vector.broadcast %get3A_333 : i32 to vector<4x4096xi32>
    %mul3A_358 = arith.muli %convert_element_type3A_356, %mul3A_357 : vector<4x4096xi32>
    %sub3A_359 = arith.subi %shift_left3A_352, %mul3A_358 : vector<4x4096xi32>
    %lt3A_360 = arith.constant 0 : i32
    %lt3A_361 = vector.broadcast %lt3A_360 : i32 to vector<4x4096xi32>
    %lt3A_362 = arith.cmpi slt, %sub3A_359, %lt3A_361 : vector<4x4096xi32>
    %add3A_363 = vector.broadcast %get3A_333 : i32 to vector<4x4096xi32>
    %add3A_364 = arith.addi %sub3A_359, %add3A_363 : vector<4x4096xi32>
    %select_n3A_365 = arith.select %lt3A_362, %add3A_364, %sub3A_359 : vector<4x4096xi1>, vector<4x4096xi32>
    %ge3A_366 = vector.broadcast %get3A_333 : i32 to vector<4x4096xi32>
    %ge3A_367 = arith.cmpi sge, %select_n3A_365, %ge3A_366 : vector<4x4096xi32>
    %sub3A_368 = vector.broadcast %get3A_333 : i32 to vector<4x4096xi32>
    %sub3A_369 = arith.subi %select_n3A_365, %sub3A_368 : vector<4x4096xi32>
    %select_n3A_370 = arith.select %ge3A_367, %sub3A_369, %select_n3A_365 : vector<4x4096xi1>, vector<4x4096xi32>
    %shift_left3A_371 = arith.constant 2 : i32
    %shift_left3A_372 = vector.broadcast %shift_left3A_371 : i32 to vector<4x4096xi32>
    %shift_left3A_373 = arith.shli %select_n3A_370, %shift_left3A_372 : vector<4x4096xi32>
    %add3A_374 = arith.addi %shift_left3A_373, %shift_right_logical3A_328 : vector<4x4096xi32>
    %shift_left3A_375 = arith.constant 12 : i32
    %shift_left3A_376 = vector.broadcast %shift_left3A_375 : i32 to vector<4x4096xi32>
    %shift_left3A_377 = arith.shli %add3A_374, %shift_left3A_376 : vector<4x4096xi32>
    %convert_element_type3A_378 = arith.sitofp %shift_left3A_377 : vector<4x4096xi32> to vector<4x4096xf32>
    %mul3A_379 = vector.broadcast %div3A_334 : f32 to vector<4x4096xf32>
    %mul3A_380 = arith.mulf %convert_element_type3A_378, %mul3A_379 : vector<4x4096xf32>
    %convert_element_type3A_381 = arith.fptosi %mul3A_380 : vector<4x4096xf32> to vector<4x4096xi32>
    %mul3A_382 = vector.broadcast %get3A_333 : i32 to vector<4x4096xi32>
    %mul3A_383 = arith.muli %convert_element_type3A_381, %mul3A_382 : vector<4x4096xi32>
    %sub3A_384 = arith.subi %shift_left3A_377, %mul3A_383 : vector<4x4096xi32>
    %lt3A_385 = arith.constant 0 : i32
    %lt3A_386 = vector.broadcast %lt3A_385 : i32 to vector<4x4096xi32>
    %lt3A_387 = arith.cmpi slt, %sub3A_384, %lt3A_386 : vector<4x4096xi32>
    %add3A_388 = vector.broadcast %get3A_333 : i32 to vector<4x4096xi32>
    %add3A_389 = arith.addi %sub3A_384, %add3A_388 : vector<4x4096xi32>
    %select_n3A_390 = arith.select %lt3A_387, %add3A_389, %sub3A_384 : vector<4x4096xi1>, vector<4x4096xi32>
    %ge3A_391 = vector.broadcast %get3A_333 : i32 to vector<4x4096xi32>
    %ge3A_392 = arith.cmpi sge, %select_n3A_390, %ge3A_391 : vector<4x4096xi32>
    %sub3A_393 = vector.broadcast %get3A_333 : i32 to vector<4x4096xi32>
    %sub3A_394 = arith.subi %select_n3A_390, %sub3A_393 : vector<4x4096xi32>
    %select_n3A_395 = arith.select %ge3A_392, %sub3A_394, %select_n3A_390 : vector<4x4096xi1>, vector<4x4096xi32>
    %shift_left3A_396 = arith.constant 4 : i32
    %shift_left3A_397 = vector.broadcast %shift_left3A_396 : i32 to vector<4x4096xi32>
    %shift_left3A_398 = arith.shli %select_n3A_395, %shift_left3A_397 : vector<4x4096xi32>
    %add3A_399 = arith.addi %shift_left3A_398, %and3A_331 : vector<4x4096xi32>
    %convert_element_type3A_400 = arith.sitofp %add3A_399 : vector<4x4096xi32> to vector<4x4096xf32>
    %mul3A_401 = vector.broadcast %div3A_334 : f32 to vector<4x4096xf32>
    %mul3A_402 = arith.mulf %convert_element_type3A_400, %mul3A_401 : vector<4x4096xf32>
    %convert_element_type3A_403 = arith.fptosi %mul3A_402 : vector<4x4096xf32> to vector<4x4096xi32>
    %mul3A_404 = vector.broadcast %get3A_333 : i32 to vector<4x4096xi32>
    %mul3A_405 = arith.muli %convert_element_type3A_403, %mul3A_404 : vector<4x4096xi32>
    %sub3A_406 = arith.subi %add3A_399, %mul3A_405 : vector<4x4096xi32>
    %lt3A_407 = arith.constant 0 : i32
    %lt3A_408 = vector.broadcast %lt3A_407 : i32 to vector<4x4096xi32>
    %lt3A_409 = arith.cmpi slt, %sub3A_406, %lt3A_408 : vector<4x4096xi32>
    %add3A_410 = vector.broadcast %get3A_333 : i32 to vector<4x4096xi32>
    %add3A_411 = arith.addi %sub3A_406, %add3A_410 : vector<4x4096xi32>
    %select_n3A_412 = arith.select %lt3A_409, %add3A_411, %sub3A_406 : vector<4x4096xi1>, vector<4x4096xi32>
    %ge3A_413 = vector.broadcast %get3A_333 : i32 to vector<4x4096xi32>
    %ge3A_414 = arith.cmpi sge, %select_n3A_412, %ge3A_413 : vector<4x4096xi32>
    %sub3A_415 = vector.broadcast %get3A_333 : i32 to vector<4x4096xi32>
    %sub3A_416 = arith.subi %select_n3A_412, %sub3A_415 : vector<4x4096xi32>
    %select_n3A_417 = arith.select %ge3A_414, %sub3A_416, %select_n3A_412 : vector<4x4096xi1>, vector<4x4096xi32>
    %swap3A = arith.constant 0 : index
    %swap3A_418 = arith.constant 0 : index
    %swap3A_419 = arith.constant 0 : index
    %swap3A_420 = vector.load %arg2[%swap3A, %swap3A_418, %swap3A_419] : memref<6x4x4096xi32, #tpu.memory_space<vmem>>, vector<1x4x4096xi32>
    %swap3A_421 = vector.shape_cast %swap3A_420 : vector<1x4x4096xi32> to vector<4x4096xi32>
    %swap3A_422 = vector.shape_cast %select_n3A_417 : vector<4x4096xi32> to vector<1x4x4096xi32>
    tpu.vector_store %arg2[%swap3A, %swap3A_418, %swap3A_419], %swap3A_422 {strides = array<i32>} : memref<6x4x4096xi32, #tpu.memory_space<vmem>>, vector<1x4x4096xi32>,
    %get3A_423 = arith.constant 13 : index
    %get3A_424 = memref.load %arg0[%get3A_423] : memref<19xi32, #tpu.memory_space<smem>>
    %convert_element_type3A_425 = arith.sitofp %get3A_424 : i32 to f32
    %div3A_426 = arith.constant 1.000000e+00 : f32
    %div3A_427 = arith.divf %div3A_426, %convert_element_type3A_425 : f32
    %convert_element_type3A_428 = arith.sitofp %xor3A : vector<4x4096xi32> to vector<4x4096xf32>
    %mul3A_429 = vector.broadcast %div3A_427 : f32 to vector<4x4096xf32>
    %mul3A_430 = arith.mulf %convert_element_type3A_428, %mul3A_429 : vector<4x4096xf32>
    %convert_element_type3A_431 = arith.fptosi %mul3A_430 : vector<4x4096xf32> to vector<4x4096xi32>
    %mul3A_432 = vector.broadcast %get3A_424 : i32 to vector<4x4096xi32>
    %mul3A_433 = arith.muli %convert_element_type3A_431, %mul3A_432 : vector<4x4096xi32>
    %sub3A_434 = arith.subi %xor3A, %mul3A_433 : vector<4x4096xi32>
    %lt3A_435 = arith.constant 0 : i32
    %lt3A_436 = vector.broadcast %lt3A_435 : i32 to vector<4x4096xi32>
    %lt3A_437 = arith.cmpi slt, %sub3A_434, %lt3A_436 : vector<4x4096xi32>
    %add3A_438 = vector.broadcast %get3A_424 : i32 to vector<4x4096xi32>
    %add3A_439 = arith.addi %sub3A_434, %add3A_438 : vector<4x4096xi32>
    %select_n3A_440 = arith.select %lt3A_437, %add3A_439, %sub3A_434 : vector<4x4096xi1>, vector<4x4096xi32>
    %ge3A_441 = vector.broadcast %get3A_424 : i32 to vector<4x4096xi32>
    %ge3A_442 = arith.cmpi sge, %select_n3A_440, %ge3A_441 : vector<4x4096xi32>
    %sub3A_443 = vector.broadcast %get3A_424 : i32 to vector<4x4096xi32>
    %sub3A_444 = arith.subi %select_n3A_440, %sub3A_443 : vector<4x4096xi32>
    %select_n3A_445 = arith.select %ge3A_442, %sub3A_444, %select_n3A_440 : vector<4x4096xi1>, vector<4x4096xi32>
    %shift_left3A_446 = arith.constant 14 : i32
    %shift_left3A_447 = vector.broadcast %shift_left3A_446 : i32 to vector<4x4096xi32>
    %shift_left3A_448 = arith.shli %select_n3A_445, %shift_left3A_447 : vector<4x4096xi32>
    %convert_element_type3A_449 = arith.sitofp %shift_left3A_448 : vector<4x4096xi32> to vector<4x4096xf32>
    %mul3A_450 = vector.broadcast %div3A_427 : f32 to vector<4x4096xf32>
    %mul3A_451 = arith.mulf %convert_element_type3A_449, %mul3A_450 : vector<4x4096xf32>
    %convert_element_type3A_452 = arith.fptosi %mul3A_451 : vector<4x4096xf32> to vector<4x4096xi32>
    %mul3A_453 = vector.broadcast %get3A_424 : i32 to vector<4x4096xi32>
    %mul3A_454 = arith.muli %convert_element_type3A_452, %mul3A_453 : vector<4x4096xi32>
    %sub3A_455 = arith.subi %shift_left3A_448, %mul3A_454 : vector<4x4096xi32>
    %lt3A_456 = arith.constant 0 : i32
    %lt3A_457 = vector.broadcast %lt3A_456 : i32 to vector<4x4096xi32>
    %lt3A_458 = arith.cmpi slt, %sub3A_455, %lt3A_457 : vector<4x4096xi32>
    %add3A_459 = vector.broadcast %get3A_424 : i32 to vector<4x4096xi32>
    %add3A_460 = arith.addi %sub3A_455, %add3A_459 : vector<4x4096xi32>
    %select_n3A_461 = arith.select %lt3A_458, %add3A_460, %sub3A_455 : vector<4x4096xi1>, vector<4x4096xi32>
    %ge3A_462 = vector.broadcast %get3A_424 : i32 to vector<4x4096xi32>
    %ge3A_463 = arith.cmpi sge, %select_n3A_461, %ge3A_462 : vector<4x4096xi32>
    %sub3A_464 = vector.broadcast %get3A_424 : i32 to vector<4x4096xi32>
    %sub3A_465 = arith.subi %select_n3A_461, %sub3A_464 : vector<4x4096xi32>
    %select_n3A_466 = arith.select %ge3A_463, %sub3A_465, %select_n3A_461 : vector<4x4096xi1>, vector<4x4096xi32>
    %shift_left3A_467 = arith.constant 2 : i32
    %shift_left3A_468 = vector.broadcast %shift_left3A_467 : i32 to vector<4x4096xi32>
    %shift_left3A_469 = arith.shli %select_n3A_466, %shift_left3A_468 : vector<4x4096xi32>
    %add3A_470 = arith.addi %shift_left3A_469, %shift_right_logical3A_328 : vector<4x4096xi32>
    %shift_left3A_471 = arith.constant 12 : i32
    %shift_left3A_472 = vector.broadcast %shift_left3A_471 : i32 to vector<4x4096xi32>
    %shift_left3A_473 = arith.shli %add3A_470, %shift_left3A_472 : vector<4x4096xi32>
    %convert_element_type3A_474 = arith.sitofp %shift_left3A_473 : vector<4x4096xi32> to vector<4x4096xf32>
    %mul3A_475 = vector.broadcast %div3A_427 : f32 to vector<4x4096xf32>
    %mul3A_476 = arith.mulf %convert_element_type3A_474, %mul3A_475 : vector<4x4096xf32>
    %convert_element_type3A_477 = arith.fptosi %mul3A_476 : vector<4x4096xf32> to vector<4x4096xi32>
    %mul3A_478 = vector.broadcast %get3A_424 : i32 to vector<4x4096xi32>
    %mul3A_479 = arith.muli %convert_element_type3A_477, %mul3A_478 : vector<4x4096xi32>
    %sub3A_480 = arith.subi %shift_left3A_473, %mul3A_479 : vector<4x4096xi32>
    %lt3A_481 = arith.constant 0 : i32
    %lt3A_482 = vector.broadcast %lt3A_481 : i32 to vector<4x4096xi32>
    %lt3A_483 = arith.cmpi slt, %sub3A_480, %lt3A_482 : vector<4x4096xi32>
    %add3A_484 = vector.broadcast %get3A_424 : i32 to vector<4x4096xi32>
    %add3A_485 = arith.addi %sub3A_480, %add3A_484 : vector<4x4096xi32>
    %select_n3A_486 = arith.select %lt3A_483, %add3A_485, %sub3A_480 : vector<4x4096xi1>, vector<4x4096xi32>
    %ge3A_487 = vector.broadcast %get3A_424 : i32 to vector<4x4096xi32>
    %ge3A_488 = arith.cmpi sge, %select_n3A_486, %ge3A_487 : vector<4x4096xi32>
    %sub3A_489 = vector.broadcast %get3A_424 : i32 to vector<4x4096xi32>
    %sub3A_490 = arith.subi %select_n3A_486, %sub3A_489 : vector<4x4096xi32>
    %select_n3A_491 = arith.select %ge3A_488, %sub3A_490, %select_n3A_486 : vector<4x4096xi1>, vector<4x4096xi32>
    %shift_left3A_492 = arith.constant 4 : i32
    %shift_left3A_493 = vector.broadcast %shift_left3A_492 : i32 to vector<4x4096xi32>
    %shift_left3A_494 = arith.shli %select_n3A_491, %shift_left3A_493 : vector<4x4096xi32>
    %add3A_495 = arith.addi %shift_left3A_494, %and3A_331 : vector<4x4096xi32>
    %convert_element_type3A_496 = arith.sitofp %add3A_495 : vector<4x4096xi32> to vector<4x4096xf32>
    %mul3A_497 = vector.broadcast %div3A_427 : f32 to vector<4x4096xf32>
    %mul3A_498 = arith.mulf %convert_element_type3A_496, %mul3A_497 : vector<4x4096xf32>
    %convert_element_type3A_499 = arith.fptosi %mul3A_498 : vector<4x4096xf32> to vector<4x4096xi32>
    %mul3A_500 = vector.broadcast %get3A_424 : i32 to vector<4x4096xi32>
    %mul3A_501 = arith.muli %convert_element_type3A_499, %mul3A_500 : vector<4x4096xi32>
    %sub3A_502 = arith.subi %add3A_495, %mul3A_501 : vector<4x4096xi32>
    %lt3A_503 = arith.constant 0 : i32
    %lt3A_504 = vector.broadcast %lt3A_503 : i32 to vector<4x4096xi32>
    %lt3A_505 = arith.cmpi slt, %sub3A_502, %lt3A_504 : vector<4x4096xi32>
    %add3A_506 = vector.broadcast %get3A_424 : i32 to vector<4x4096xi32>
    %add3A_507 = arith.addi %sub3A_502, %add3A_506 : vector<4x4096xi32>
    %select_n3A_508 = arith.select %lt3A_505, %add3A_507, %sub3A_502 : vector<4x4096xi1>, vector<4x4096xi32>
    %ge3A_509 = vector.broadcast %get3A_424 : i32 to vector<4x4096xi32>
    %ge3A_510 = arith.cmpi sge, %select_n3A_508, %ge3A_509 : vector<4x4096xi32>
    %sub3A_511 = vector.broadcast %get3A_424 : i32 to vector<4x4096xi32>
    %sub3A_512 = arith.subi %select_n3A_508, %sub3A_511 : vector<4x4096xi32>
    %select_n3A_513 = arith.select %ge3A_510, %sub3A_512, %select_n3A_508 : vector<4x4096xi1>, vector<4x4096xi32>
    %swap3A_514 = arith.constant 1 : index
    %swap3A_515 = arith.constant 0 : index
    %swap3A_516 = arith.constant 0 : index
    %swap3A_517 = vector.load %arg2[%swap3A_514, %swap3A_515, %swap3A_516] : memref<6x4x4096xi32, #tpu.memory_space<vmem>>, vector<1x4x4096xi32>
    %swap3A_518 = vector.shape_cast %swap3A_517 : vector<1x4x4096xi32> to vector<4x4096xi32>
    %swap3A_519 = vector.shape_cast %select_n3A_513 : vector<4x4096xi32> to vector<1x4x4096xi32>
    tpu.vector_store %arg2[%swap3A_514, %swap3A_515, %swap3A_516], %swap3A_519 {strides = array<i32>} : memref<6x4x4096xi32, #tpu.memory_space<vmem>>, vector<1x4x4096xi32>,
    %xor3A_520 = arith.xori %xor3A, %or3A_240 : vector<4x4096xi32>
    %xor3A_521 = arith.xori %xor3A_325, %or3A_230 : vector<4x4096xi32>
    %shift_right_logical3A_522 = arith.constant 16 : i32
    %shift_right_logical3A_523 = vector.broadcast %shift_right_logical3A_522 : i32 to vector<4x4096xi32>
    %shift_right_logical3A_524 = arith.shrui %xor3A_521, %shift_right_logical3A_523 : vector<4x4096xi32>
    %and3A_525 = arith.constant 65535 : i32
    %and3A_526 = vector.broadcast %and3A_525 : i32 to vector<4x4096xi32>
    %and3A_527 = arith.andi %xor3A_521, %and3A_526 : vector<4x4096xi32>
    %get3A_528 = arith.constant 14 : index
    %get3A_529 = memref.load %arg0[%get3A_528] : memref<19xi32, #tpu.memory_space<smem>>
    %convert_element_type3A_530 = arith.sitofp %get3A_529 : i32 to f32
    %div3A_531 = arith.constant 1.000000e+00 : f32
    %div3A_532 = arith.divf %div3A_531, %convert_element_type3A_530 : f32
    %convert_element_type3A_533 = arith.sitofp %xor3A_520 : vector<4x4096xi32> to vector<4x4096xf32>
    %mul3A_534 = vector.broadcast %div3A_532 : f32 to vector<4x4096xf32>
    %mul3A_535 = arith.mulf %convert_element_type3A_533, %mul3A_534 : vector<4x4096xf32>
    %convert_element_type3A_536 = arith.fptosi %mul3A_535 : vector<4x4096xf32> to vector<4x4096xi32>
    %mul3A_537 = vector.broadcast %get3A_529 : i32 to vector<4x4096xi32>
    %mul3A_538 = arith.muli %convert_element_type3A_536, %mul3A_537 : vector<4x4096xi32>
    %sub3A_539 = arith.subi %xor3A_520, %mul3A_538 : vector<4x4096xi32>
    %lt3A_540 = arith.constant 0 : i32
    %lt3A_541 = vector.broadcast %lt3A_540 : i32 to vector<4x4096xi32>
    %lt3A_542 = arith.cmpi slt, %sub3A_539, %lt3A_541 : vector<4x4096xi32>
    %add3A_543 = vector.broadcast %get3A_529 : i32 to vector<4x4096xi32>
    %add3A_544 = arith.addi %sub3A_539, %add3A_543 : vector<4x4096xi32>
    %select_n3A_545 = arith.select %lt3A_542, %add3A_544, %sub3A_539 : vector<4x4096xi1>, vector<4x4096xi32>
    %ge3A_546 = vector.broadcast %get3A_529 : i32 to vector<4x4096xi32>
    %ge3A_547 = arith.cmpi sge, %select_n3A_545, %ge3A_546 : vector<4x4096xi32>
    %sub3A_548 = vector.broadcast %get3A_529 : i32 to vector<4x4096xi32>
    %sub3A_549 = arith.subi %select_n3A_545, %sub3A_548 : vector<4x4096xi32>
    %select_n3A_550 = arith.select %ge3A_547, %sub3A_549, %select_n3A_545 : vector<4x4096xi1>, vector<4x4096xi32>
    %shift_left3A_551 = arith.constant 14 : i32
    %shift_left3A_552 = vector.broadcast %shift_left3A_551 : i32 to vector<4x4096xi32>
    %shift_left3A_553 = arith.shli %select_n3A_550, %shift_left3A_552 : vector<4x4096xi32>
    %convert_element_type3A_554 = arith.sitofp %shift_left3A_553 : vector<4x4096xi32> to vector<4x4096xf32>
    %mul3A_555 = vector.broadcast %div3A_532 : f32 to vector<4x4096xf32>
    %mul3A_556 = arith.mulf %convert_element_type3A_554, %mul3A_555 : vector<4x4096xf32>
    %convert_element_type3A_557 = arith.fptosi %mul3A_556 : vector<4x4096xf32> to vector<4x4096xi32>
    %mul3A_558 = vector.broadcast %get3A_529 : i32 to vector<4x4096xi32>
    %mul3A_559 = arith.muli %convert_element_type3A_557, %mul3A_558 : vector<4x4096xi32>
    %sub3A_560 = arith.subi %shift_left3A_553, %mul3A_559 : vector<4x4096xi32>
    %lt3A_561 = arith.constant 0 : i32
    %lt3A_562 = vector.broadcast %lt3A_561 : i32 to vector<4x4096xi32>
    %lt3A_563 = arith.cmpi slt, %sub3A_560, %lt3A_562 : vector<4x4096xi32>
    %add3A_564 = vector.broadcast %get3A_529 : i32 to vector<4x4096xi32>
    %add3A_565 = arith.addi %sub3A_560, %add3A_564 : vector<4x4096xi32>
    %select_n3A_566 = arith.select %lt3A_563, %add3A_565, %sub3A_560 : vector<4x4096xi1>, vector<4x4096xi32>
    %ge3A_567 = vector.broadcast %get3A_529 : i32 to vector<4x4096xi32>
    %ge3A_568 = arith.cmpi sge, %select_n3A_566, %ge3A_567 : vector<4x4096xi32>
    %sub3A_569 = vector.broadcast %get3A_529 : i32 to vector<4x4096xi32>
    %sub3A_570 = arith.subi %select_n3A_566, %sub3A_569 : vector<4x4096xi32>
    %select_n3A_571 = arith.select %ge3A_568, %sub3A_570, %select_n3A_566 : vector<4x4096xi1>, vector<4x4096xi32>
    %shift_left3A_572 = arith.constant 2 : i32
    %shift_left3A_573 = vector.broadcast %shift_left3A_572 : i32 to vector<4x4096xi32>
    %shift_left3A_574 = arith.shli %select_n3A_571, %shift_left3A_573 : vector<4x4096xi32>
    %add3A_575 = arith.addi %shift_left3A_574, %shift_right_logical3A_524 : vector<4x4096xi32>
    %shift_left3A_576 = arith.constant 12 : i32
    %shift_left3A_577 = vector.broadcast %shift_left3A_576 : i32 to vector<4x4096xi32>
    %shift_left3A_578 = arith.shli %add3A_575, %shift_left3A_577 : vector<4x4096xi32>
    %convert_element_type3A_579 = arith.sitofp %shift_left3A_578 : vector<4x4096xi32> to vector<4x4096xf32>
    %mul3A_580 = vector.broadcast %div3A_532 : f32 to vector<4x4096xf32>
    %mul3A_581 = arith.mulf %convert_element_type3A_579, %mul3A_580 : vector<4x4096xf32>
    %convert_element_type3A_582 = arith.fptosi %mul3A_581 : vector<4x4096xf32> to vector<4x4096xi32>
    %mul3A_583 = vector.broadcast %get3A_529 : i32 to vector<4x4096xi32>
    %mul3A_584 = arith.muli %convert_element_type3A_582, %mul3A_583 : vector<4x4096xi32>
    %sub3A_585 = arith.subi %shift_left3A_578, %mul3A_584 : vector<4x4096xi32>
    %lt3A_586 = arith.constant 0 : i32
    %lt3A_587 = vector.broadcast %lt3A_586 : i32 to vector<4x4096xi32>
    %lt3A_588 = arith.cmpi slt, %sub3A_585, %lt3A_587 : vector<4x4096xi32>
    %add3A_589 = vector.broadcast %get3A_529 : i32 to vector<4x4096xi32>
    %add3A_590 = arith.addi %sub3A_585, %add3A_589 : vector<4x4096xi32>
    %select_n3A_591 = arith.select %lt3A_588, %add3A_590, %sub3A_585 : vector<4x4096xi1>, vector<4x4096xi32>
    %ge3A_592 = vector.broadcast %get3A_529 : i32 to vector<4x4096xi32>
    %ge3A_593 = arith.cmpi sge, %select_n3A_591, %ge3A_592 : vector<4x4096xi32>
    %sub3A_594 = vector.broadcast %get3A_529 : i32 to vector<4x4096xi32>
    %sub3A_595 = arith.subi %select_n3A_591, %sub3A_594 : vector<4x4096xi32>
    %select_n3A_596 = arith.select %ge3A_593, %sub3A_595, %select_n3A_591 : vector<4x4096xi1>, vector<4x4096xi32>
    %shift_left3A_597 = arith.constant 4 : i32
    %shift_left3A_598 = vector.broadcast %shift_left3A_597 : i32 to vector<4x4096xi32>
    %shift_left3A_599 = arith.shli %select_n3A_596, %shift_left3A_598 : vector<4x4096xi32>
    %add3A_600 = arith.addi %shift_left3A_599, %and3A_527 : vector<4x4096xi32>
    %convert_element_type3A_601 = arith.sitofp %add3A_600 : vector<4x4096xi32> to vector<4x4096xf32>
    %mul3A_602 = vector.broadcast %div3A_532 : f32 to vector<4x4096xf32>
    %mul3A_603 = arith.mulf %convert_element_type3A_601, %mul3A_602 : vector<4x4096xf32>
    %convert_element_type3A_604 = arith.fptosi %mul3A_603 : vector<4x4096xf32> to vector<4x4096xi32>
    %mul3A_605 = vector.broadcast %get3A_529 : i32 to vector<4x4096xi32>
    %mul3A_606 = arith.muli %convert_element_type3A_604, %mul3A_605 : vector<4x4096xi32>
    %sub3A_607 = arith.subi %add3A_600, %mul3A_606 : vector<4x4096xi32>
    %lt3A_608 = arith.constant 0 : i32
    %lt3A_609 = vector.broadcast %lt3A_608 : i32 to vector<4x4096xi32>
    %lt3A_610 = arith.cmpi slt, %sub3A_607, %lt3A_609 : vector<4x4096xi32>
    %add3A_611 = vector.broadcast %get3A_529 : i32 to vector<4x4096xi32>
    %add3A_612 = arith.addi %sub3A_607, %add3A_611 : vector<4x4096xi32>
    %select_n3A_613 = arith.select %lt3A_610, %add3A_612, %sub3A_607 : vector<4x4096xi1>, vector<4x4096xi32>
    %ge3A_614 = vector.broadcast %get3A_529 : i32 to vector<4x4096xi32>
    %ge3A_615 = arith.cmpi sge, %select_n3A_613, %ge3A_614 : vector<4x4096xi32>
    %sub3A_616 = vector.broadcast %get3A_529 : i32 to vector<4x4096xi32>
    %sub3A_617 = arith.subi %select_n3A_613, %sub3A_616 : vector<4x4096xi32>
    %select_n3A_618 = arith.select %ge3A_615, %sub3A_617, %select_n3A_613 : vector<4x4096xi1>, vector<4x4096xi32>
    %swap3A_619 = arith.constant 2 : index
    %swap3A_620 = arith.constant 0 : index
    %swap3A_621 = arith.constant 0 : index
    %swap3A_622 = vector.load %arg2[%swap3A_619, %swap3A_620, %swap3A_621] : memref<6x4x4096xi32, #tpu.memory_space<vmem>>, vector<1x4x4096xi32>
    %swap3A_623 = vector.shape_cast %swap3A_622 : vector<1x4x4096xi32> to vector<4x4096xi32>
    %swap3A_624 = vector.shape_cast %select_n3A_618 : vector<4x4096xi32> to vector<1x4x4096xi32>
    tpu.vector_store %arg2[%swap3A_619, %swap3A_620, %swap3A_621], %swap3A_624 {strides = array<i32>} : memref<6x4x4096xi32, #tpu.memory_space<vmem>>, vector<1x4x4096xi32>,
    %get3A_625 = arith.constant 15 : index
    %get3A_626 = memref.load %arg0[%get3A_625] : memref<19xi32, #tpu.memory_space<smem>>
    %convert_element_type3A_627 = arith.sitofp %get3A_626 : i32 to f32
    %div3A_628 = arith.constant 1.000000e+00 : f32
    %div3A_629 = arith.divf %div3A_628, %convert_element_type3A_627 : f32
    %convert_element_type3A_630 = arith.sitofp %xor3A_520 : vector<4x4096xi32> to vector<4x4096xf32>
    %mul3A_631 = vector.broadcast %div3A_629 : f32 to vector<4x4096xf32>
    %mul3A_632 = arith.mulf %convert_element_type3A_630, %mul3A_631 : vector<4x4096xf32>
    %convert_element_type3A_633 = arith.fptosi %mul3A_632 : vector<4x4096xf32> to vector<4x4096xi32>
    %mul3A_634 = vector.broadcast %get3A_626 : i32 to vector<4x4096xi32>
    %mul3A_635 = arith.muli %convert_element_type3A_633, %mul3A_634 : vector<4x4096xi32>
    %sub3A_636 = arith.subi %xor3A_520, %mul3A_635 : vector<4x4096xi32>
    %lt3A_637 = arith.constant 0 : i32
    %lt3A_638 = vector.broadcast %lt3A_637 : i32 to vector<4x4096xi32>
    %lt3A_639 = arith.cmpi slt, %sub3A_636, %lt3A_638 : vector<4x4096xi32>
    %add3A_640 = vector.broadcast %get3A_626 : i32 to vector<4x4096xi32>
    %add3A_641 = arith.addi %sub3A_636, %add3A_640 : vector<4x4096xi32>
    %select_n3A_642 = arith.select %lt3A_639, %add3A_641, %sub3A_636 : vector<4x4096xi1>, vector<4x4096xi32>
    %ge3A_643 = vector.broadcast %get3A_626 : i32 to vector<4x4096xi32>
    %ge3A_644 = arith.cmpi sge, %select_n3A_642, %ge3A_643 : vector<4x4096xi32>
    %sub3A_645 = vector.broadcast %get3A_626 : i32 to vector<4x4096xi32>
    %sub3A_646 = arith.subi %select_n3A_642, %sub3A_645 : vector<4x4096xi32>
    %select_n3A_647 = arith.select %ge3A_644, %sub3A_646, %select_n3A_642 : vector<4x4096xi1>, vector<4x4096xi32>
    %shift_left3A_648 = arith.constant 14 : i32
    %shift_left3A_649 = vector.broadcast %shift_left3A_648 : i32 to vector<4x4096xi32>
    %shift_left3A_650 = arith.shli %select_n3A_647, %shift_left3A_649 : vector<4x4096xi32>
    %convert_element_type3A_651 = arith.sitofp %shift_left3A_650 : vector<4x4096xi32> to vector<4x4096xf32>
    %mul3A_652 = vector.broadcast %div3A_629 : f32 to vector<4x4096xf32>
    %mul3A_653 = arith.mulf %convert_element_type3A_651, %mul3A_652 : vector<4x4096xf32>
    %convert_element_type3A_654 = arith.fptosi %mul3A_653 : vector<4x4096xf32> to vector<4x4096xi32>
    %mul3A_655 = vector.broadcast %get3A_626 : i32 to vector<4x4096xi32>
    %mul3A_656 = arith.muli %convert_element_type3A_654, %mul3A_655 : vector<4x4096xi32>
    %sub3A_657 = arith.subi %shift_left3A_650, %mul3A_656 : vector<4x4096xi32>
    %lt3A_658 = arith.constant 0 : i32
    %lt3A_659 = vector.broadcast %lt3A_658 : i32 to vector<4x4096xi32>
    %lt3A_660 = arith.cmpi slt, %sub3A_657, %lt3A_659 : vector<4x4096xi32>
    %add3A_661 = vector.broadcast %get3A_626 : i32 to vector<4x4096xi32>
    %add3A_662 = arith.addi %sub3A_657, %add3A_661 : vector<4x4096xi32>
    %select_n3A_663 = arith.select %lt3A_660, %add3A_662, %sub3A_657 : vector<4x4096xi1>, vector<4x4096xi32>
    %ge3A_664 = vector.broadcast %get3A_626 : i32 to vector<4x4096xi32>
    %ge3A_665 = arith.cmpi sge, %select_n3A_663, %ge3A_664 : vector<4x4096xi32>
    %sub3A_666 = vector.broadcast %get3A_626 : i32 to vector<4x4096xi32>
    %sub3A_667 = arith.subi %select_n3A_663, %sub3A_666 : vector<4x4096xi32>
    %select_n3A_668 = arith.select %ge3A_665, %sub3A_667, %select_n3A_663 : vector<4x4096xi1>, vector<4x4096xi32>
    %shift_left3A_669 = arith.constant 2 : i32
    %shift_left3A_670 = vector.broadcast %shift_left3A_669 : i32 to vector<4x4096xi32>
    %shift_left3A_671 = arith.shli %select_n3A_668, %shift_left3A_670 : vector<4x4096xi32>
    %add3A_672 = arith.addi %shift_left3A_671, %shift_right_logical3A_524 : vector<4x4096xi32>
    %shift_left3A_673 = arith.constant 12 : i32
    %shift_left3A_674 = vector.broadcast %shift_left3A_673 : i32 to vector<4x4096xi32>
    %shift_left3A_675 = arith.shli %add3A_672, %shift_left3A_674 : vector<4x4096xi32>
    %convert_element_type3A_676 = arith.sitofp %shift_left3A_675 : vector<4x4096xi32> to vector<4x4096xf32>
    %mul3A_677 = vector.broadcast %div3A_629 : f32 to vector<4x4096xf32>
    %mul3A_678 = arith.mulf %convert_element_type3A_676, %mul3A_677 : vector<4x4096xf32>
    %convert_element_type3A_679 = arith.fptosi %mul3A_678 : vector<4x4096xf32> to vector<4x4096xi32>
    %mul3A_680 = vector.broadcast %get3A_626 : i32 to vector<4x4096xi32>
    %mul3A_681 = arith.muli %convert_element_type3A_679, %mul3A_680 : vector<4x4096xi32>
    %sub3A_682 = arith.subi %shift_left3A_675, %mul3A_681 : vector<4x4096xi32>
    %lt3A_683 = arith.constant 0 : i32
    %lt3A_684 = vector.broadcast %lt3A_683 : i32 to vector<4x4096xi32>
    %lt3A_685 = arith.cmpi slt, %sub3A_682, %lt3A_684 : vector<4x4096xi32>
    %add3A_686 = vector.broadcast %get3A_626 : i32 to vector<4x4096xi32>
    %add3A_687 = arith.addi %sub3A_682, %add3A_686 : vector<4x4096xi32>
    %select_n3A_688 = arith.select %lt3A_685, %add3A_687, %sub3A_682 : vector<4x4096xi1>, vector<4x4096xi32>
    %ge3A_689 = vector.broadcast %get3A_626 : i32 to vector<4x4096xi32>
    %ge3A_690 = arith.cmpi sge, %select_n3A_688, %ge3A_689 : vector<4x4096xi32>
    %sub3A_691 = vector.broadcast %get3A_626 : i32 to vector<4x4096xi32>
    %sub3A_692 = arith.subi %select_n3A_688, %sub3A_691 : vector<4x4096xi32>
    %select_n3A_693 = arith.select %ge3A_690, %sub3A_692, %select_n3A_688 : vector<4x4096xi1>, vector<4x4096xi32>
    %shift_left3A_694 = arith.constant 4 : i32
    %shift_left3A_695 = vector.broadcast %shift_left3A_694 : i32 to vector<4x4096xi32>
    %shift_left3A_696 = arith.shli %select_n3A_693, %shift_left3A_695 : vector<4x4096xi32>
    %add3A_697 = arith.addi %shift_left3A_696, %and3A_527 : vector<4x4096xi32>
    %convert_element_type3A_698 = arith.sitofp %add3A_697 : vector<4x4096xi32> to vector<4x4096xf32>
    %mul3A_699 = vector.broadcast %div3A_629 : f32 to vector<4x4096xf32>
    %mul3A_700 = arith.mulf %convert_element_type3A_698, %mul3A_699 : vector<4x4096xf32>
    %convert_element_type3A_701 = arith.fptosi %mul3A_700 : vector<4x4096xf32> to vector<4x4096xi32>
    %mul3A_702 = vector.broadcast %get3A_626 : i32 to vector<4x4096xi32>
    %mul3A_703 = arith.muli %convert_element_type3A_701, %mul3A_702 : vector<4x4096xi32>
    %sub3A_704 = arith.subi %add3A_697, %mul3A_703 : vector<4x4096xi32>
    %lt3A_705 = arith.constant 0 : i32
    %lt3A_706 = vector.broadcast %lt3A_705 : i32 to vector<4x4096xi32>
    %lt3A_707 = arith.cmpi slt, %sub3A_704, %lt3A_706 : vector<4x4096xi32>
    %add3A_708 = vector.broadcast %get3A_626 : i32 to vector<4x4096xi32>
    %add3A_709 = arith.addi %sub3A_704, %add3A_708 : vector<4x4096xi32>
    %select_n3A_710 = arith.select %lt3A_707, %add3A_709, %sub3A_704 : vector<4x4096xi1>, vector<4x4096xi32>
    %ge3A_711 = vector.broadcast %get3A_626 : i32 to vector<4x4096xi32>
    %ge3A_712 = arith.cmpi sge, %select_n3A_710, %ge3A_711 : vector<4x4096xi32>
    %sub3A_713 = vector.broadcast %get3A_626 : i32 to vector<4x4096xi32>
    %sub3A_714 = arith.subi %select_n3A_710, %sub3A_713 : vector<4x4096xi32>
    %select_n3A_715 = arith.select %ge3A_712, %sub3A_714, %select_n3A_710 : vector<4x4096xi1>, vector<4x4096xi32>
    %swap3A_716 = arith.constant 3 : index
    %swap3A_717 = arith.constant 0 : index
    %swap3A_718 = arith.constant 0 : index
    %swap3A_719 = vector.load %arg2[%swap3A_716, %swap3A_717, %swap3A_718] : memref<6x4x4096xi32, #tpu.memory_space<vmem>>, vector<1x4x4096xi32>
    %swap3A_720 = vector.shape_cast %swap3A_719 : vector<1x4x4096xi32> to vector<4x4096xi32>
    %swap3A_721 = vector.shape_cast %select_n3A_715 : vector<4x4096xi32> to vector<1x4x4096xi32>
    tpu.vector_store %arg2[%swap3A_716, %swap3A_717, %swap3A_718], %swap3A_721 {strides = array<i32>} : memref<6x4x4096xi32, #tpu.memory_space<vmem>>, vector<1x4x4096xi32>,
    %xor3A_722 = arith.xori %xor3A_520, %or3A_324 : vector<4x4096xi32>
    %xor3A_723 = arith.xori %xor3A_521, %or3A_314 : vector<4x4096xi32>
    %shift_right_logical3A_724 = arith.constant 16 : i32
    %shift_right_logical3A_725 = vector.broadcast %shift_right_logical3A_724 : i32 to vector<4x4096xi32>
    %shift_right_logical3A_726 = arith.shrui %xor3A_723, %shift_right_logical3A_725 : vector<4x4096xi32>
    %and3A_727 = arith.constant 65535 : i32
    %and3A_728 = vector.broadcast %and3A_727 : i32 to vector<4x4096xi32>
    %and3A_729 = arith.andi %xor3A_723, %and3A_728 : vector<4x4096xi32>
    %get3A_730 = arith.constant 16 : index
    %get3A_731 = memref.load %arg0[%get3A_730] : memref<19xi32, #tpu.memory_space<smem>>
    %convert_element_type3A_732 = arith.sitofp %get3A_731 : i32 to f32
    %div3A_733 = arith.constant 1.000000e+00 : f32
    %div3A_734 = arith.divf %div3A_733, %convert_element_type3A_732 : f32
    %convert_element_type3A_735 = arith.sitofp %xor3A_722 : vector<4x4096xi32> to vector<4x4096xf32>
    %mul3A_736 = vector.broadcast %div3A_734 : f32 to vector<4x4096xf32>
    %mul3A_737 = arith.mulf %convert_element_type3A_735, %mul3A_736 : vector<4x4096xf32>
    %convert_element_type3A_738 = arith.fptosi %mul3A_737 : vector<4x4096xf32> to vector<4x4096xi32>
    %mul3A_739 = vector.broadcast %get3A_731 : i32 to vector<4x4096xi32>
    %mul3A_740 = arith.muli %convert_element_type3A_738, %mul3A_739 : vector<4x4096xi32>
    %sub3A_741 = arith.subi %xor3A_722, %mul3A_740 : vector<4x4096xi32>
    %lt3A_742 = arith.constant 0 : i32
    %lt3A_743 = vector.broadcast %lt3A_742 : i32 to vector<4x4096xi32>
    %lt3A_744 = arith.cmpi slt, %sub3A_741, %lt3A_743 : vector<4x4096xi32>
    %add3A_745 = vector.broadcast %get3A_731 : i32 to vector<4x4096xi32>
    %add3A_746 = arith.addi %sub3A_741, %add3A_745 : vector<4x4096xi32>
    %select_n3A_747 = arith.select %lt3A_744, %add3A_746, %sub3A_741 : vector<4x4096xi1>, vector<4x4096xi32>
    %ge3A_748 = vector.broadcast %get3A_731 : i32 to vector<4x4096xi32>
    %ge3A_749 = arith.cmpi sge, %select_n3A_747, %ge3A_748 : vector<4x4096xi32>
    %sub3A_750 = vector.broadcast %get3A_731 : i32 to vector<4x4096xi32>
    %sub3A_751 = arith.subi %select_n3A_747, %sub3A_750 : vector<4x4096xi32>
    %select_n3A_752 = arith.select %ge3A_749, %sub3A_751, %select_n3A_747 : vector<4x4096xi1>, vector<4x4096xi32>
    %shift_left3A_753 = arith.constant 14 : i32
    %shift_left3A_754 = vector.broadcast %shift_left3A_753 : i32 to vector<4x4096xi32>
    %shift_left3A_755 = arith.shli %select_n3A_752, %shift_left3A_754 : vector<4x4096xi32>
    %convert_element_type3A_756 = arith.sitofp %shift_left3A_755 : vector<4x4096xi32> to vector<4x4096xf32>
    %mul3A_757 = vector.broadcast %div3A_734 : f32 to vector<4x4096xf32>
    %mul3A_758 = arith.mulf %convert_element_type3A_756, %mul3A_757 : vector<4x4096xf32>
    %convert_element_type3A_759 = arith.fptosi %mul3A_758 : vector<4x4096xf32> to vector<4x4096xi32>
    %mul3A_760 = vector.broadcast %get3A_731 : i32 to vector<4x4096xi32>
    %mul3A_761 = arith.muli %convert_element_type3A_759, %mul3A_760 : vector<4x4096xi32>
    %sub3A_762 = arith.subi %shift_left3A_755, %mul3A_761 : vector<4x4096xi32>
    %lt3A_763 = arith.constant 0 : i32
    %lt3A_764 = vector.broadcast %lt3A_763 : i32 to vector<4x4096xi32>
    %lt3A_765 = arith.cmpi slt, %sub3A_762, %lt3A_764 : vector<4x4096xi32>
    %add3A_766 = vector.broadcast %get3A_731 : i32 to vector<4x4096xi32>
    %add3A_767 = arith.addi %sub3A_762, %add3A_766 : vector<4x4096xi32>
    %select_n3A_768 = arith.select %lt3A_765, %add3A_767, %sub3A_762 : vector<4x4096xi1>, vector<4x4096xi32>
    %ge3A_769 = vector.broadcast %get3A_731 : i32 to vector<4x4096xi32>
    %ge3A_770 = arith.cmpi sge, %select_n3A_768, %ge3A_769 : vector<4x4096xi32>
    %sub3A_771 = vector.broadcast %get3A_731 : i32 to vector<4x4096xi32>
    %sub3A_772 = arith.subi %select_n3A_768, %sub3A_771 : vector<4x4096xi32>
    %select_n3A_773 = arith.select %ge3A_770, %sub3A_772, %select_n3A_768 : vector<4x4096xi1>, vector<4x4096xi32>
    %shift_left3A_774 = arith.constant 2 : i32
    %shift_left3A_775 = vector.broadcast %shift_left3A_774 : i32 to vector<4x4096xi32>
    %shift_left3A_776 = arith.shli %select_n3A_773, %shift_left3A_775 : vector<4x4096xi32>
    %add3A_777 = arith.addi %shift_left3A_776, %shift_right_logical3A_726 : vector<4x4096xi32>
    %shift_left3A_778 = arith.constant 12 : i32
    %shift_left3A_779 = vector.broadcast %shift_left3A_778 : i32 to vector<4x4096xi32>
    %shift_left3A_780 = arith.shli %add3A_777, %shift_left3A_779 : vector<4x4096xi32>
    %convert_element_type3A_781 = arith.sitofp %shift_left3A_780 : vector<4x4096xi32> to vector<4x4096xf32>
    %mul3A_782 = vector.broadcast %div3A_734 : f32 to vector<4x4096xf32>
    %mul3A_783 = arith.mulf %convert_element_type3A_781, %mul3A_782 : vector<4x4096xf32>
    %convert_element_type3A_784 = arith.fptosi %mul3A_783 : vector<4x4096xf32> to vector<4x4096xi32>
    %mul3A_785 = vector.broadcast %get3A_731 : i32 to vector<4x4096xi32>
    %mul3A_786 = arith.muli %convert_element_type3A_784, %mul3A_785 : vector<4x4096xi32>
    %sub3A_787 = arith.subi %shift_left3A_780, %mul3A_786 : vector<4x4096xi32>
    %lt3A_788 = arith.constant 0 : i32
    %lt3A_789 = vector.broadcast %lt3A_788 : i32 to vector<4x4096xi32>
    %lt3A_790 = arith.cmpi slt, %sub3A_787, %lt3A_789 : vector<4x4096xi32>
    %add3A_791 = vector.broadcast %get3A_731 : i32 to vector<4x4096xi32>
    %add3A_792 = arith.addi %sub3A_787, %add3A_791 : vector<4x4096xi32>
    %select_n3A_793 = arith.select %lt3A_790, %add3A_792, %sub3A_787 : vector<4x4096xi1>, vector<4x4096xi32>
    %ge3A_794 = vector.broadcast %get3A_731 : i32 to vector<4x4096xi32>
    %ge3A_795 = arith.cmpi sge, %select_n3A_793, %ge3A_794 : vector<4x4096xi32>
    %sub3A_796 = vector.broadcast %get3A_731 : i32 to vector<4x4096xi32>
    %sub3A_797 = arith.subi %select_n3A_793, %sub3A_796 : vector<4x4096xi32>
    %select_n3A_798 = arith.select %ge3A_795, %sub3A_797, %select_n3A_793 : vector<4x4096xi1>, vector<4x4096xi32>
    %shift_left3A_799 = arith.constant 4 : i32
    %shift_left3A_800 = vector.broadcast %shift_left3A_799 : i32 to vector<4x4096xi32>
    %shift_left3A_801 = arith.shli %select_n3A_798, %shift_left3A_800 : vector<4x4096xi32>
    %add3A_802 = arith.addi %shift_left3A_801, %and3A_729 : vector<4x4096xi32>
    %convert_element_type3A_803 = arith.sitofp %add3A_802 : vector<4x4096xi32> to vector<4x4096xf32>
    %mul3A_804 = vector.broadcast %div3A_734 : f32 to vector<4x4096xf32>
    %mul3A_805 = arith.mulf %convert_element_type3A_803, %mul3A_804 : vector<4x4096xf32>
    %convert_element_type3A_806 = arith.fptosi %mul3A_805 : vector<4x4096xf32> to vector<4x4096xi32>
    %mul3A_807 = vector.broadcast %get3A_731 : i32 to vector<4x4096xi32>
    %mul3A_808 = arith.muli %convert_element_type3A_806, %mul3A_807 : vector<4x4096xi32>
    %sub3A_809 = arith.subi %add3A_802, %mul3A_808 : vector<4x4096xi32>
    %lt3A_810 = arith.constant 0 : i32
    %lt3A_811 = vector.broadcast %lt3A_810 : i32 to vector<4x4096xi32>
    %lt3A_812 = arith.cmpi slt, %sub3A_809, %lt3A_811 : vector<4x4096xi32>
    %add3A_813 = vector.broadcast %get3A_731 : i32 to vector<4x4096xi32>
    %add3A_814 = arith.addi %sub3A_809, %add3A_813 : vector<4x4096xi32>
    %select_n3A_815 = arith.select %lt3A_812, %add3A_814, %sub3A_809 : vector<4x4096xi1>, vector<4x4096xi32>
    %ge3A_816 = vector.broadcast %get3A_731 : i32 to vector<4x4096xi32>
    %ge3A_817 = arith.cmpi sge, %select_n3A_815, %ge3A_816 : vector<4x4096xi32>
    %sub3A_818 = vector.broadcast %get3A_731 : i32 to vector<4x4096xi32>
    %sub3A_819 = arith.subi %select_n3A_815, %sub3A_818 : vector<4x4096xi32>
    %select_n3A_820 = arith.select %ge3A_817, %sub3A_819, %select_n3A_815 : vector<4x4096xi1>, vector<4x4096xi32>
    %swap3A_821 = arith.constant 4 : index
    %swap3A_822 = arith.constant 0 : index
    %swap3A_823 = arith.constant 0 : index
    %swap3A_824 = vector.load %arg2[%swap3A_821, %swap3A_822, %swap3A_823] : memref<6x4x4096xi32, #tpu.memory_space<vmem>>, vector<1x4x4096xi32>
    %swap3A_825 = vector.shape_cast %swap3A_824 : vector<1x4x4096xi32> to vector<4x4096xi32>
    %swap3A_826 = vector.shape_cast %select_n3A_820 : vector<4x4096xi32> to vector<1x4x4096xi32>
    tpu.vector_store %arg2[%swap3A_821, %swap3A_822, %swap3A_823], %swap3A_826 {strides = array<i32>} : memref<6x4x4096xi32, #tpu.memory_space<vmem>>, vector<1x4x4096xi32>,
    %get3A_827 = arith.constant 17 : index
    %get3A_828 = memref.load %arg0[%get3A_827] : memref<19xi32, #tpu.memory_space<smem>>
    %convert_element_type3A_829 = arith.sitofp %get3A_828 : i32 to f32
    %div3A_830 = arith.constant 1.000000e+00 : f32
    %div3A_831 = arith.divf %div3A_830, %convert_element_type3A_829 : f32
    %convert_element_type3A_832 = arith.sitofp %xor3A_722 : vector<4x4096xi32> to vector<4x4096xf32>
    %mul3A_833 = vector.broadcast %div3A_831 : f32 to vector<4x4096xf32>
    %mul3A_834 = arith.mulf %convert_element_type3A_832, %mul3A_833 : vector<4x4096xf32>
    %convert_element_type3A_835 = arith.fptosi %mul3A_834 : vector<4x4096xf32> to vector<4x4096xi32>
    %mul3A_836 = vector.broadcast %get3A_828 : i32 to vector<4x4096xi32>
    %mul3A_837 = arith.muli %convert_element_type3A_835, %mul3A_836 : vector<4x4096xi32>
    %sub3A_838 = arith.subi %xor3A_722, %mul3A_837 : vector<4x4096xi32>
    %lt3A_839 = arith.constant 0 : i32
    %lt3A_840 = vector.broadcast %lt3A_839 : i32 to vector<4x4096xi32>
    %lt3A_841 = arith.cmpi slt, %sub3A_838, %lt3A_840 : vector<4x4096xi32>
    %add3A_842 = vector.broadcast %get3A_828 : i32 to vector<4x4096xi32>
    %add3A_843 = arith.addi %sub3A_838, %add3A_842 : vector<4x4096xi32>
    %select_n3A_844 = arith.select %lt3A_841, %add3A_843, %sub3A_838 : vector<4x4096xi1>, vector<4x4096xi32>
    %ge3A_845 = vector.broadcast %get3A_828 : i32 to vector<4x4096xi32>
    %ge3A_846 = arith.cmpi sge, %select_n3A_844, %ge3A_845 : vector<4x4096xi32>
    %sub3A_847 = vector.broadcast %get3A_828 : i32 to vector<4x4096xi32>
    %sub3A_848 = arith.subi %select_n3A_844, %sub3A_847 : vector<4x4096xi32>
    %select_n3A_849 = arith.select %ge3A_846, %sub3A_848, %select_n3A_844 : vector<4x4096xi1>, vector<4x4096xi32>
    %shift_left3A_850 = arith.constant 14 : i32
    %shift_left3A_851 = vector.broadcast %shift_left3A_850 : i32 to vector<4x4096xi32>
    %shift_left3A_852 = arith.shli %select_n3A_849, %shift_left3A_851 : vector<4x4096xi32>
    %convert_element_type3A_853 = arith.sitofp %shift_left3A_852 : vector<4x4096xi32> to vector<4x4096xf32>
    %mul3A_854 = vector.broadcast %div3A_831 : f32 to vector<4x4096xf32>
    %mul3A_855 = arith.mulf %convert_element_type3A_853, %mul3A_854 : vector<4x4096xf32>
    %convert_element_type3A_856 = arith.fptosi %mul3A_855 : vector<4x4096xf32> to vector<4x4096xi32>
    %mul3A_857 = vector.broadcast %get3A_828 : i32 to vector<4x4096xi32>
    %mul3A_858 = arith.muli %convert_element_type3A_856, %mul3A_857 : vector<4x4096xi32>
    %sub3A_859 = arith.subi %shift_left3A_852, %mul3A_858 : vector<4x4096xi32>
    %lt3A_860 = arith.constant 0 : i32
    %lt3A_861 = vector.broadcast %lt3A_860 : i32 to vector<4x4096xi32>
    %lt3A_862 = arith.cmpi slt, %sub3A_859, %lt3A_861 : vector<4x4096xi32>
    %add3A_863 = vector.broadcast %get3A_828 : i32 to vector<4x4096xi32>
    %add3A_864 = arith.addi %sub3A_859, %add3A_863 : vector<4x4096xi32>
    %select_n3A_865 = arith.select %lt3A_862, %add3A_864, %sub3A_859 : vector<4x4096xi1>, vector<4x4096xi32>
    %ge3A_866 = vector.broadcast %get3A_828 : i32 to vector<4x4096xi32>
    %ge3A_867 = arith.cmpi sge, %select_n3A_865, %ge3A_866 : vector<4x4096xi32>
    %sub3A_868 = vector.broadcast %get3A_828 : i32 to vector<4x4096xi32>
    %sub3A_869 = arith.subi %select_n3A_865, %sub3A_868 : vector<4x4096xi32>
    %select_n3A_870 = arith.select %ge3A_867, %sub3A_869, %select_n3A_865 : vector<4x4096xi1>, vector<4x4096xi32>
    %shift_left3A_871 = arith.constant 2 : i32
    %shift_left3A_872 = vector.broadcast %shift_left3A_871 : i32 to vector<4x4096xi32>
    %shift_left3A_873 = arith.shli %select_n3A_870, %shift_left3A_872 : vector<4x4096xi32>
    %add3A_874 = arith.addi %shift_left3A_873, %shift_right_logical3A_726 : vector<4x4096xi32>
    %shift_left3A_875 = arith.constant 12 : i32
    %shift_left3A_876 = vector.broadcast %shift_left3A_875 : i32 to vector<4x4096xi32>
    %shift_left3A_877 = arith.shli %add3A_874, %shift_left3A_876 : vector<4x4096xi32>
    %convert_element_type3A_878 = arith.sitofp %shift_left3A_877 : vector<4x4096xi32> to vector<4x4096xf32>
    %mul3A_879 = vector.broadcast %div3A_831 : f32 to vector<4x4096xf32>
    %mul3A_880 = arith.mulf %convert_element_type3A_878, %mul3A_879 : vector<4x4096xf32>
    %convert_element_type3A_881 = arith.fptosi %mul3A_880 : vector<4x4096xf32> to vector<4x4096xi32>
    %mul3A_882 = vector.broadcast %get3A_828 : i32 to vector<4x4096xi32>
    %mul3A_883 = arith.muli %convert_element_type3A_881, %mul3A_882 : vector<4x4096xi32>
    %sub3A_884 = arith.subi %shift_left3A_877, %mul3A_883 : vector<4x4096xi32>
    %lt3A_885 = arith.constant 0 : i32
    %lt3A_886 = vector.broadcast %lt3A_885 : i32 to vector<4x4096xi32>
    %lt3A_887 = arith.cmpi slt, %sub3A_884, %lt3A_886 : vector<4x4096xi32>
    %add3A_888 = vector.broadcast %get3A_828 : i32 to vector<4x4096xi32>
    %add3A_889 = arith.addi %sub3A_884, %add3A_888 : vector<4x4096xi32>
    %select_n3A_890 = arith.select %lt3A_887, %add3A_889, %sub3A_884 : vector<4x4096xi1>, vector<4x4096xi32>
    %ge3A_891 = vector.broadcast %get3A_828 : i32 to vector<4x4096xi32>
    %ge3A_892 = arith.cmpi sge, %select_n3A_890, %ge3A_891 : vector<4x4096xi32>
    %sub3A_893 = vector.broadcast %get3A_828 : i32 to vector<4x4096xi32>
    %sub3A_894 = arith.subi %select_n3A_890, %sub3A_893 : vector<4x4096xi32>
    %select_n3A_895 = arith.select %ge3A_892, %sub3A_894, %select_n3A_890 : vector<4x4096xi1>, vector<4x4096xi32>
    %shift_left3A_896 = arith.constant 4 : i32
    %shift_left3A_897 = vector.broadcast %shift_left3A_896 : i32 to vector<4x4096xi32>
    %shift_left3A_898 = arith.shli %select_n3A_895, %shift_left3A_897 : vector<4x4096xi32>
    %add3A_899 = arith.addi %shift_left3A_898, %and3A_729 : vector<4x4096xi32>
    %convert_element_type3A_900 = arith.sitofp %add3A_899 : vector<4x4096xi32> to vector<4x4096xf32>
    %mul3A_901 = vector.broadcast %div3A_831 : f32 to vector<4x4096xf32>
    %mul3A_902 = arith.mulf %convert_element_type3A_900, %mul3A_901 : vector<4x4096xf32>
    %convert_element_type3A_903 = arith.fptosi %mul3A_902 : vector<4x4096xf32> to vector<4x4096xi32>
    %mul3A_904 = vector.broadcast %get3A_828 : i32 to vector<4x4096xi32>
    %mul3A_905 = arith.muli %convert_element_type3A_903, %mul3A_904 : vector<4x4096xi32>
    %sub3A_906 = arith.subi %add3A_899, %mul3A_905 : vector<4x4096xi32>
    %lt3A_907 = arith.constant 0 : i32
    %lt3A_908 = vector.broadcast %lt3A_907 : i32 to vector<4x4096xi32>
    %lt3A_909 = arith.cmpi slt, %sub3A_906, %lt3A_908 : vector<4x4096xi32>
    %add3A_910 = vector.broadcast %get3A_828 : i32 to vector<4x4096xi32>
    %add3A_911 = arith.addi %sub3A_906, %add3A_910 : vector<4x4096xi32>
    %select_n3A_912 = arith.select %lt3A_909, %add3A_911, %sub3A_906 : vector<4x4096xi1>, vector<4x4096xi32>
    %ge3A_913 = vector.broadcast %get3A_828 : i32 to vector<4x4096xi32>
    %ge3A_914 = arith.cmpi sge, %select_n3A_912, %ge3A_913 : vector<4x4096xi32>
    %sub3A_915 = vector.broadcast %get3A_828 : i32 to vector<4x4096xi32>
    %sub3A_916 = arith.subi %select_n3A_912, %sub3A_915 : vector<4x4096xi32>
    %select_n3A_917 = arith.select %ge3A_914, %sub3A_916, %select_n3A_912 : vector<4x4096xi1>, vector<4x4096xi32>
    %swap3A_918 = arith.constant 5 : index
    %swap3A_919 = arith.constant 0 : index
    %swap3A_920 = arith.constant 0 : index
    %swap3A_921 = vector.load %arg2[%swap3A_918, %swap3A_919, %swap3A_920] : memref<6x4x4096xi32, #tpu.memory_space<vmem>>, vector<1x4x4096xi32>
    %swap3A_922 = vector.shape_cast %swap3A_921 : vector<1x4x4096xi32> to vector<4x4096xi32>
    %swap3A_923 = vector.shape_cast %select_n3A_917 : vector<4x4096xi32> to vector<1x4x4096xi32>
    tpu.vector_store %arg2[%swap3A_918, %swap3A_919, %swap3A_920], %swap3A_923 {strides = array<i32>} : memref<6x4x4096xi32, #tpu.memory_space<vmem>>, vector<1x4x4096xi32>,
    return
  }
}

</mosaic_0001>

<sc_bundles>
// kernel: kernel.4.cloned.1.call-start
scs
__scs_entry_jumppad:
0x0: {  	(pc) =	sbr.rel $0x88, $3  }
0x1: {  	(tag) =	ssettag $0x0;
	lr =	simm.s32 $0x1  }
0x2: {  	[smem:$0x3F9C] =	sst lr;
	_ =	strace $0xD0000000  }
0x3: {  	_ = 	snop  }
0x4: {  	_ = 	snop  }
0x5: {  	_ = 	snop  }
0x6: {  	_ = 	snop  }
0x7: {  	_ = 	snop  }
__scs_overlays_trampoline_lowered:
0x8: {  	[smem:$0x3FAB] =	sst s0  }
0x9: {  	[smem:$0x3FAC] =	sst s1  }
0xa: {  	[smem:$0x3FAD] =	sst s2  }
0xb: {  	[smem:$0x3FAE] =	sst s3  }
0xc: {  	[smem:$0x3FAF] =	sst s4  }
0xd: {  	[smem:$0x3FB0] =	sst s5  }
0xe: {  	[smem:$0x3FB1] =	sst s6  }
0xf: {  	[smem:$0x3FB2] =	sst s7  }
0x10: {  	[smem:$0x3FB3] =	sst s8  }
0x11: {  	[smem:$0x3FB4] =	sst s9;
	s0 =	simm.s32 @!p0 $0x0  }
0x12: {  	s1 =	sld [smem:$0x3F9A];
	s0 =	simm.s32 @p0 $0x1  }
0x13: {  	[smem:$0x3FB5] =	sst s0;
	s0 =	simm.s32 @!p1 $0x0  }
0x14: {  	s2 =	sld [smem:$0x3F99];
	s0 =	simm.s32 @p1 $0x1  }
0x15: {  	[smem:$0x3FB6] =	sst s0;
	s0 =	simm.s32 @!p2 $0x0  }
0x16: {  	s3 =	sld [smem:$0x3FDB];
	s0 =	simm.s32 @p2 $0x1  }
0x17: {  	s4 =	simm.s32 $0x1BF5;
	[smem:$0x3FB8] =	sst s0  }
0x18: {  	s0 =	sld [smem:$0x3F9B];
	_ =	swait.ge [sflag:s4], $0x0  }
0x19: {  	s7 =	sld [smem:$0x3F9C]  }
0x1a: {  	s8 =	sadd.s32 $0xFFFFE003, lr  }
0x1b: {  	s9 =	sadd.s32 $0xFFFFFEF7, lr;
	s5 =	simm.s32 $0xFFFFFFFF;
	p2 =	slt.u32 s8, $0xFFFFF086  }
0x1c: {  	p1 =	slt.u32 s9, $0xF7A;
	s5 =	simm.s32 @!p2 $0x0  }
0x1d: {  	s5 =	simm.s32 @p1 $0x1;
	p0 =	seq.s32 s7, s2  }
0x1e: {  	s7 =	smul.u32 @!p0 $0xF7A, s2;
	p2 =	seq.s32 @!p0 s5, $0x0  }
0x1f: {  	s9 =	smul.u32 $0xF7A, s1;
	s8 =	simm.s32 @!p0 $0x1BF5;
	p2 =	por !p2, p0  }
0x20: {  	[sflag:s8] =	ssyncset.s32 @!p0 $0xFFFFF086;
	s6 =	sadd.s32 @!p0 s3, s7;
	s7 =	simm.s32 @!p0 $0x108  }
0x21: {  	s3 =	sadd.s32 s3, s9;
	s6 =	sadd.s32 @!p0 $0x88, s6;
	s7 =	simm.s32 @p2 $0x1082  }
0x22: {  	[simem:s7], [sflag:s8] =	dma.local @!p0 [hbm:s6], $0xF7A  }
0x23: {  	s9 =	sor.u32 $0xD0000000, s2;
	s6 =	simm.s32 $0x108;
	_ =	swait.ge @!p0 [sflag:s8], $0x0  }
0x24: {  	s3 =	sadd.s32 $0x88, s3;
	s6 =	simm.s32 @!p1 $0x1082;
	[sflag:s4] =	ssyncset.s32 $0xFFFFF086  }
0x25: {  	[simem:s6], [sflag:s4] =	dma.local [hbm:s3], $0xF7A  }
0x26: {  	[smem:$0x3F9C] =	sst s1;
	(tag) =	ssettag s2;
	_ =	strace s9  }
0x27: {  	s1 =	sld [smem:$0x3FAC]  }
0x28: {  	s2 =	sld [smem:$0x3FAD]  }
0x29: {  	s4 =	sld [smem:$0x3FAF]  }
0x2a: {  	p0 =	seq.s32 s5, $0x0;
	s5 =	sld [smem:$0x3FB0]  }
0x2b: {  	s6 =	sld [smem:$0x3FB1]  }
0x2c: {  	s7 =	sld [smem:$0x3FB2]  }
0x2d: {  	s3 =	simm.s32 $0x108;
	s8 =	sld [smem:$0x3FB3]  }
0x2e: {  	s3 =	simm.s32 @!p0 $0x1082;
	s9 =	sld [smem:$0x3FB4]  }
0x2f: {  	lr =	sadd.s32 s0, s3;
	s0 =	sld [smem:$0x3FAB]  }
0x30: {  	s3 =	sld [smem:$0x3FAE]  }
0x31: {  	[smem:$0x3FB7] =	sst s10  }
0x32: {  	s10 =	sld [smem:$0x3FB5];
	_ =	sdelay $0x3  }
0x33: {  	p0 =	seq.s32 s10, $0x1;
	s10 =	sld [smem:$0x3FB7];
	_ =	sdelay $0x3  }
0x34: {  	[smem:$0x3FB7] =	sst s10  }
0x35: {  	s10 =	sld [smem:$0x3FB6];
	_ =	sdelay $0x3  }
0x36: {  	p1 =	seq.s32 s10, $0x1;
	s10 =	sld [smem:$0x3FB7];
	_ =	sdelay $0x3  }
0x37: {  	[smem:$0x3FB7] =	sst s10  }
0x38: {  	s10 =	sld [smem:$0x3FB8]  }
0x39: {  	_ = 	snop;
	(pc) =	sbr.ind lr, $3  }
0x3a: {  	_ = 	snop  }
0x3b: {  	_ = 	snop  }
0x3c: {  	p2 =	seq.s32 s10, $0x1;
	s10 =	sld [smem:$0x3FB7]  }
0x3d: {  	_ =	shalt  }
0x3e: {  	_ =	shalt  }
0x3f: {  	_ =	shalt  }
0x40: {  	_ =	shalt  }
0x41: {  	_ =	shalt  }
0x42: {  	_ =	shalt  }
0x43: {  	_ =	shalt  }
0x44: {  	_ =	shalt  }
0x45: {  	_ =	shalt  }
0x46: {  	_ =	shalt  }
0x47: {  	_ =	shalt  }
0x48: {  	_ =	shalt  }
0x49: {  	_ =	shalt  }
0x4a: {  	_ =	shalt  }
0x4b: {  	_ =	shalt  }
0x4c: {  	_ =	shalt  }
0x4d: {  	_ =	shalt  }
0x4e: {  	_ =	shalt  }
0x4f: {  	_ =	shalt  }
0x50: {  	_ =	shalt  }
0x51: {  	_ =	shalt  }
0x52: {  	_ =	shalt  }
0x53: {  	_ =	shalt  }
0x54: {  	_ =	shalt  }
0x55: {  	_ =	shalt  }
0x56: {  	_ =	shalt  }
0x57: {  	_ =	shalt  }
0x58: {  	_ =	shalt  }
0x59: {  	_ =	shalt  }
0x5a: {  	_ =	shalt  }
0x5b: {  	_ =	shalt  }
0x5c: {  	_ =	shalt  }
0x5d: {  	_ =	shalt  }
0x5e: {  	_ =	shalt  }
0x5f: {  	_ =	shalt  }
0x60: {  	_ =	shalt  }
0x61: {  	_ =	shalt  }
0x62: {  	_ =	shalt  }
0x63: {  	_ =	shalt  }
0x64: {  	_ =	shalt  }
0x65: {  	_ =	shalt  }
0x66: {  	_ =	shalt  }
0x67: {  	_ =	shalt  }
0x68: {  	_ =	shalt  }
0x69: {  	_ =	shalt  }
0x6a: {  	_ =	shalt  }
0x6b: {  	_ =	shalt  }
0x6c: {  	_ =	shalt  }
0x6d: {  	_ =	shalt  }
0x6e: {  	_ =	shalt  }
0x6f: {  	_ =	shalt  }
0x70: {  	_ =	shalt  }
0x71: {  	_ =	shalt  }
0x72: {  	_ =	shalt  }
0x73: {  	_ =	shalt  }
0x74: {  	_ =	shalt  }
0x75: {  	_ =	shalt  }
0x76: {  	_ =	shalt  }
0x77: {  	_ =	shalt  }
0x78: {  	_ =	shalt  }
0x79: {  	_ =	shalt  }
0x7a: {  	_ =	shalt  }
0x7b: {  	_ =	shalt  }
0x7c: {  	_ =	shalt  }
0x7d: {  	_ =	shalt  }
0x7e: {  	_ =	shalt  }
0x7f: {  	_ =	shalt  }
0x80: {  	_ =	shalt  }
0x81: {  	_ =	shalt  }
0x82: {  	_ =	shalt  }
0x83: {  	_ =	shalt  }
0x84: {  	_ =	shalt  }
0x85: {  	_ =	shalt  }
0x86: {  	_ =	shalt  }
0x87: {  	_ =	shalt  }
.Lfunc_end0:
.L_simem_size_0:
called_computation_lowered:
.L_overlay_start_0:
0x88: {  	s2 =	sld [smem:$0x3FD9]  }
0x89: {  	s3 =	sld [smem:$0x3FFE];
	_ =	sdelay $0x1  }
0x8a: {  	s1 =	srdreg.scid  }
0x8b: {  	s0 =	sand.u32 $0x1, s1  }
0x8c: {  	s17 =	sshll.u32 s0, $0xA;
	s2 =	sadd.s32 s3, s2  }
0x8d: {  	s2 =	sadd.s32 s2, s17  }
0x8e: {  	[smem:$0x3FC3] =	sst s2  }
0x8f: {  	_ = 	snop  }
0x90: {  	s2 =	sld [smem:$0x3FD0];
	(tm) =	ssettm $0x1  }
0x91: {  	s18 =	sld [smem:$0x3FFB];
	_ =	sdelay $0x3  }
0x92: {  	_ =	strace s18  }
0x93: {  	s3 =	sld [smem:$0x3FFC];
	_ =	sdelay $0x3  }
0x94: {  	_ =	strace s3  }
0x95: {  	s3 =	sld [smem:$0x3FFD];
	_ =	sdelay $0x3  }
0x96: {  	_ =	strace s3  }
0x97: {  	_ =	strace $0x8FFFFFFF  }
0x98: {  	s19 =	sld [smem:$0x3FDB];
	_ =	sdelay $0x1  }
0x99: {  	s4 =	simm.s32 $_scs_section_size  }
0x9a: {  	s5 =	simm.s32 $_size__tile_overlayer_lowered;
	s6 =	simm.s32 $_tile_overlayer_lowered  }
0x9b: {  	s22 =	simm.s32 $0x1BFF;
	s21 =	sshll.u32 s6, $0x1;
	s3 =	sadd.s32 s4, s19  }
0x9c: {  	s7 =	simm.s32 $0x0;
	s20 =	sshll.u32 s5, $0x1;
	s5 =	sadd.s32 s21, s3  }
0x9d: {  	[timem:s7], [sflag:s22] =	dma.local [hbm:s5], s20  }
0x9e: {  	_ =	swait.ge [sflag:s22], s20  }
0x9f: {  	s4 =	ssub.s32 $0x0, s20;
	[sflag:s22] =	ssyncset.done $0x0  }
0xa0: {  	[sflag:s22] =	ssyncadd.s32 s4;
	_ =	sdelay $0x1  }
0xa1: {  	s23 =	simm.s32 $0x1B8B  }
0xa2: {  	_ =	swait.ge [sflag:s23], $0x1  }
0xa3: {  	[sflag:s23] =	ssyncset.done $0x0  }
0xa4: {  	s25 =	simm.s32 $0x1B8E;
	s24 =	sld [smem:$0x3FFE];
	[sflag:s23] =	ssyncadd.s32 $0xFFFFFFFF  }
0xa5: {  	s26 =	simm.s32 $execute0_lowered;
	[smem:$0x3FD2] =	sst s25  }
0xa6: {  	s5 =	sshll.u32 s26, $0x1;
	_ =	strace $0x80000046;
	[dreg:$0x1] =	wrdreg $0xFFFFFFFF  }
0xa7: {  	s28 =	simm.s32 $_size_execute0_lowered;
	s3 =	sadd.s32 s3, s5;
	[dreg:$0x0] =	wrdreg $0x0  }
0xa8: {  	s5 =	sshll.u32 s28, $0x1;
	[dreg:$0x2] =	wrdreg s3  }
0xa9: {  	[dreg:$0x3] =	wrdreg s5  }
0xaa: {  	[dreg:$0x4] =	wrdreg $0xC0  }
0xab: {  	_ =	task [dreg:s7], $0x5FFFF  }
0xac: {  	[dreg:$0x1] =	wrdreg $0xFFFFFFFF  }
0xad: {  	[dreg:$0x0] =	wrdreg $0x60  }
0xae: {  	[dreg:$0x2] =	wrdreg s2  }
0xaf: {  	[dreg:$0x3] =	wrdreg s24  }
0xb0: {  	[dreg:$0x4] =	wrdreg $0x9  }
0xb1: {  	_ =	task.clear_ibuf [dreg:s7], $0x5FFFF;
	_ =	strace $0x90000046  }
0xb2: {  	s29 =	simm.s32 $0x9;
	_ =	strace $0x80000048  }
0xb3: {  	_ =	swait.ge [sflag:s29], $0x1  }
0xb4: {  	[sflag:s29] =	ssyncadd.s32 $0xFFFFFFFF  }
0xb5: {  	_ =	strace $0x90000048  }
0xb6: {  	_ =	sfence  }
0xb7: {  	s30 =	sld [smem:$0x0];
	_ =	sdelay $0x2  }
0xb8: {  	s31 =	sshll.u32 s1, $0xD;
	s1 =	sshrl.u32 s1, $0x2  }
0xb9: {  	s3 =	sand.u32 $0x4000, s31;
	s1 =	sadd.s32 s1, s30  }
0xba: {  	s0 =	sor.u32 s3, s0;
	s1 =	sshll.u32 s1, $0x11  }
0xbb: {  	s0 =	sor.u32 s1, s0  }
0xbc: {  	s0 =	sadd.s32 $0x8F2B, s0  }
0xbd: {  	[sflag:s0] =	ssyncadd.remote.s32 $0x1  }
0xbe: {  	_ =	sfence.sel $0xFFFF  }
0xbf: {  	[dreg:$0x0] =	wrdreg $0xFFFFFFFF;
	(pc) =	sbr.abs _section_cstart, $3  }
0xc0: {  	[dreg:$0x1] =	wrdreg $0xFFFFFFFF  }
0xc1: {  	_ =	task.clear_ibuf [dreg:s7], $0x2FFFF;
	_ =	strace $0x9FFFFFFF  }
0xc2: {  	(tm) =	ssettm $0x7FFFFFFF  }
0xc3: {  	_ =	shalt  }
tec
execute0_lowered:
.L_overlay_start_1:
0x0: {  	(tag) =	ssettag $0x1  }
0x1: {  	s1 =	srdreg.scid  }
0x2: {  	s2 =	rddreg [dreg:$0x0];
	s0 =	stileid.u32;
	s19 =	sand.u32 $0x1, s1  }
0x3: {  	s4 =	rddreg [dreg:$0x1];
	s5 =	sshll.u32 s0, $0x7;
	s6 =	sshll.u32 s19, $0x6  }
0x4: {  	s3 =	simm.s32 $0x0;
	s1 =	rddreg [dreg:$0x2];
	s5 =	sor.u32 s6, s5  }
0x5: {  	[smem:$0x7FF] =	sst s3;
	s17 =	sadd.s32 s5, s4  }
0x6: {  	_ =	strace $0x80000047;
	s5 =	simm.s32 $0x3;
	s4 =	sadd.s32 $0x800, s17  }
0x7: {  	[tilespmem:s3], [sflag:$0x3] =	stream.linear.gather [hbm4b:s4+s3], $0x200, $0x38;
	[tilespmem:$0x400] =	vst v63  }
0x8: {  	_ =	swait.ge [sflag:s5], $0x200  }
0x9: {  	[sflag:s5] =	ssyncset.done $0x0  }
0xa: {  	s7 =	simm.s32 $0x200;
	s6 =	simm.s32 $0x80;
	[sflag:s5] =	ssyncadd.s32 $0xFFFFFE00  }
0xb: {  	[tilespmem:s7], [sflag:$0x1] =	stream.indirect.gather [hbm4b:s2+s6], $0x1, s3, s6, $0xb8;
	[tilespmem:$0x400] =	vst v63  }
0xc: {  	s8 =	simm.s32 $0x280  }
0xd: {  	[tilespmem:s8], [sflag:$0x1] =	stream.indirect.gather [hbm4b:s2+s6], $0x1, s6, s6, $0xb8;
	[tilespmem:$0x400] =	vst v63  }
0xe: {  	s9 =	simm.s32 $0x100;
	s10 =	simm.s32 $0x300  }
0xf: {  	[tilespmem:s10], [sflag:$0x1] =	stream.indirect.gather [hbm4b:s2+s6], $0x1, s9, s6, $0xb8;
	[tilespmem:$0x400] =	vst v63  }
0x10: {  	s11 =	simm.s32 $0x180;
	s12 =	simm.s32 $0x380;
	s13 =	simm.s32 $0x1  }
0x11: {  	[tilespmem:s12], [sflag:$0x1] =	stream.indirect.gather [hbm4b:s2+s6], $0x1, s11, s6, $0xb8;
	[tilespmem:$0x400] =	vst v63  }
0x12: {  	_ =	swait.ge [sflag:s13], $0x80  }
0x13: {  	[sflag:s13] =	ssyncset.done $0x0  }
0x14: {  	s14 =	sadd.s32 $0x1000, s17;
	[sflag:s13] =	ssyncadd.s32 $0xFFFFFF80  }
0x15: {  	[hbm4b:s14+s3] =	stream.linear.scatter [tilespmem:s7], [sflag:$0x2], $0x80, $0x38;
	[tilespmem:$0x400] =	vst v63  }
0x16: {  	_ =	swait.ge [sflag:s13], $0x80  }
0x17: {  	[sflag:s13] =	ssyncset.done $0x0  }
0x18: {  	s15 =	sadd.s32 $0x1010, s17;
	[sflag:s13] =	ssyncadd.s32 $0xFFFFFF80  }
0x19: {  	[hbm4b:s15+s3] =	stream.linear.scatter [tilespmem:s8], [sflag:$0x2], $0x80, $0x38;
	[tilespmem:$0x400] =	vst v63  }
0x1a: {  	_ =	swait.ge [sflag:s13], $0x80  }
0x1b: {  	[sflag:s13] =	ssyncset.done $0x0  }
0x1c: {  	s16 =	sadd.s32 $0x1020, s17;
	[sflag:s13] =	ssyncadd.s32 $0xFFFFFF80  }
0x1d: {  	[hbm4b:s16+s3] =	stream.linear.scatter [tilespmem:s10], [sflag:$0x2], $0x80, $0x38;
	[tilespmem:$0x400] =	vst v63  }
0x1e: {  	_ =	swait.ge [sflag:s13], $0x80  }
0x1f: {  	[sflag:s13] =	ssyncset.done $0x0  }
0x20: {  	s18 =	sadd.s32 $0x1030, s17;
	s17 =	simm.s32 $0x2;
	[sflag:s13] =	ssyncadd.s32 $0xFFFFFF80  }
0x21: {  	[hbm4b:s18+s3] =	stream.linear.scatter [tilespmem:s12], [sflag:$0x2], $0x80, $0x38;
	[tilespmem:$0x400] =	vst v63  }
0x22: {  	_ =	swait.ge [sflag:s17], $0x80  }
0x23: {  	s19 =	ssub.s32 $0x2, s19;
	[sflag:s17] =	ssyncset.done $0x0  }
0x24: {  	s20 =	sshrl.u32 s19, $0x1;
	[sflag:s17] =	ssyncadd.s32 $0xFFFFFF80  }
0x25: {  	s19 =	ssub.s32 s19, s20;
	_ =	swait.ge [sflag:s17], $0x80  }
0x26: {  	s19 =	smax.u32 s19, $0x1;
	[sflag:s17] =	ssyncset.done $0x0  }
0x27: {  	p0 =	sne.s32 s19, $0x1;
	[sflag:s17] =	ssyncadd.s32 $0xFFFFFF80  }
.Ltmp0:
0x28: {  	_ =	swait.ge [sflag:s17], $0x80;
	(pc) =	sbr.rel @!p0 .LBB2_2-.Ltmp0, $4  }
0x29: {  	[sflag:s17] =	ssyncset.done $0x0  }
0x2a: {  	[sflag:s17] =	ssyncadd.s32 $0xFFFFFF80  }
0x2b: {  	_ =	swait.ge [sflag:s17], $0x80  }
0x2c: {  	s19 =	sadd.s32 $0xFFFFFFFF, s19;
	[sflag:s17] =	ssyncset.done $0x0  }
.LBB2_1:
0x2d: {  	p0 =	sne.s32 s19, $0x1;
	s19 =	sadd.s32 $0xFFFFFFFF, s19;
	[sflag:s17] =	ssyncadd.s32 $0xFFFFFF80  }
0x2e: {  	[tilespmem:s3], [sflag:$0x3] =	stream.linear.gather [hbm4b:s4+s3], $0x200, $0x38;
	[tilespmem:$0x400] =	vst v63  }
0x2f: {  	_ =	swait.ge [sflag:s5], $0x200  }
0x30: {  	[sflag:s5] =	ssyncset.done $0x0  }
0x31: {  	[sflag:s5] =	ssyncadd.s32 $0xFFFFFE00  }
0x32: {  	[tilespmem:s7], [sflag:$0x1] =	stream.indirect.gather [hbm4b:s2+s6], $0x1, s3, s6, $0xb8;
	[tilespmem:$0x400] =	vst v63  }
0x33: {  	_ = 	snop  }
0x34: {  	[tilespmem:s8], [sflag:$0x1] =	stream.indirect.gather [hbm4b:s2+s6], $0x1, s6, s6, $0xb8;
	[tilespmem:$0x400] =	vst v63  }
0x35: {  	_ = 	snop  }
0x36: {  	[tilespmem:s10], [sflag:$0x1] =	stream.indirect.gather [hbm4b:s2+s6], $0x1, s9, s6, $0xb8;
	[tilespmem:$0x400] =	vst v63  }
0x37: {  	_ = 	snop  }
0x38: {  	[tilespmem:s12], [sflag:$0x1] =	stream.indirect.gather [hbm4b:s2+s6], $0x1, s11, s6, $0xb8;
	[tilespmem:$0x400] =	vst v63  }
0x39: {  	_ =	swait.ge [sflag:s13], $0x80  }
0x3a: {  	[sflag:s13] =	ssyncset.done $0x0  }
0x3b: {  	[sflag:s13] =	ssyncadd.s32 $0xFFFFFF80  }
0x3c: {  	[hbm4b:s14+s3] =	stream.linear.scatter [tilespmem:s7], [sflag:$0x2], $0x80, $0x38;
	[tilespmem:$0x400] =	vst v63  }
0x3d: {  	_ =	swait.ge [sflag:s13], $0x80  }
0x3e: {  	[sflag:s13] =	ssyncset.done $0x0  }
0x3f: {  	[sflag:s13] =	ssyncadd.s32 $0xFFFFFF80  }
0x40: {  	[hbm4b:s15+s3] =	stream.linear.scatter [tilespmem:s8], [sflag:$0x2], $0x80, $0x38;
	[tilespmem:$0x400] =	vst v63  }
0x41: {  	_ =	swait.ge [sflag:s13], $0x80  }
0x42: {  	[sflag:s13] =	ssyncset.done $0x0  }
0x43: {  	[sflag:s13] =	ssyncadd.s32 $0xFFFFFF80  }
0x44: {  	[hbm4b:s16+s3] =	stream.linear.scatter [tilespmem:s10], [sflag:$0x2], $0x80, $0x38;
	[tilespmem:$0x400] =	vst v63  }
0x45: {  	_ =	swait.ge [sflag:s13], $0x80  }
0x46: {  	[sflag:s13] =	ssyncset.done $0x0  }
0x47: {  	[sflag:s13] =	ssyncadd.s32 $0xFFFFFF80  }
0x48: {  	[hbm4b:s18+s3] =	stream.linear.scatter [tilespmem:s12], [sflag:$0x2], $0x80, $0x38;
	[tilespmem:$0x400] =	vst v63  }
0x49: {  	_ =	swait.ge [sflag:s17], $0x80  }
0x4a: {  	[sflag:s17] =	ssyncset.done $0x0  }
0x4b: {  	[sflag:s17] =	ssyncadd.s32 $0xFFFFFF80  }
0x4c: {  	_ =	swait.ge [sflag:s17], $0x80  }
0x4d: {  	[sflag:s17] =	ssyncset.done $0x0  }
0x4e: {  	[sflag:s17] =	ssyncadd.s32 $0xFFFFFF80  }
.Ltmp1:
0x4f: {  	_ =	swait.ge [sflag:s17], $0x80;
	(pc) =	sbr.rel @p0 .LBB2_1-.Ltmp1, $4  }
0x50: {  	[sflag:s17] =	ssyncset.done $0x0  }
0x51: {  	[sflag:s17] =	ssyncadd.s32 $0xFFFFFF80  }
0x52: {  	_ =	swait.ge [sflag:s17], $0x80  }
0x53: {  	[sflag:s17] =	ssyncset.done $0x0  }
.LBB2_2:
0x54: {  	[sflag:s17] =	ssyncadd.s32 $0xFFFFFF80  }
0x55: {  	_ =	sfence.sel $0x180000  }
0x56: {  	[bflag:$0x0] =	sbarrier.arrive $0xFFFF  }
0x57: {  	p0 =	sne.s32 s0, $0x0;
	_ =	strace $0x90000047  }
0x58: {  	s0 =	sadd.s32 @!p0 $0x100000, s1;
	[bflag:$0x2] =	sbarrier.arrive $0xFFFF  }
0x59: {  	[sflag:s0] =	ssyncadd.tile.s32 @!p0 $0x1;
	_ =	shalt  }
.Lfunc_end2:
_tile_overlayer_lowered:
.L_overlay_start_2:
0x5a: {  	(tag) =	ssettag $0x2  }
0x5b: {  	s0 =	rddreg [dreg:$0x0];
	s2 =	stileid.u32  }
0x5c: {  	s1 =	rddreg [dreg:$0x1];
	p0 =	sne.s32 s2, $0x0  }
0x5d: {  	s3 =	rddreg [dreg:$0x2];
	[bflag:$0x3] =	sbarrier.arrive $0xFFFF;
	s2 =	simm.s32 @!p0 $0x1C03  }
0x5e: {  	[timem:s3], [sflag:s2] =	dma.local @!p0 [hbm:s0], s1  }
0x5f: {  	s0 =	simm.s32 @!p0 $0x3  }
0x60: {  	_ =	swait.ge @!p0 [sflag:s0], s1  }
0x61: {  	s1 =	ssub.s32 @!p0 $0x0, s1;
	[sflag:s0] =	ssyncset.done @!p0 $0x0  }
0x62: {  	[sflag:s0] =	ssyncadd.s32 @!p0 s1  }
0x63: {  	[bflag:$0x3] =	sbarrier.arrive $0xFFFF  }
0x64: {  	_ =	shalt  }

</sc_bundles>
